<compile_context>
chip_gen: v7x
topology: tpu7x:2x2x1
jax: 0.10.2.dev20260603
libtpu: 0.0.44.dev20260713+nightly
codegen_flags: <defaults>
</compile_context>

<pallas_src>
import functools

import jax
import jax.numpy as jnp
from jax import lax
from jax.experimental import pallas as pl
from jax.experimental.pallas import tpu as pltpu

H = 512
W = 512
WINDOW = 12

BLK = 2048


def _image_kernel(px_ref, py_ref, h_ref, w_ref, bg_ref, out_ref):
    k = pl.program_id(0)

    px = px_ref[...]
    py = py_ref[...]
    height = h_ref[...]
    width = w_ref[...]
    s = jnp.sqrt(0.5 * 1.4426950408889634) / width

    cols = lax.broadcasted_iota(jnp.int32, (BLK, W), 1).astype(jnp.float32)
    dx = cols * s[:, None] - (px * s)[:, None]
    fx = jnp.exp2(-(dx * dx))
    dy = cols * s[:, None] - (py * s)[:, None]
    fy = height[:, None] * jnp.exp2(-(dy * dy))

    acc = lax.dot_general(
        fy.astype(jnp.bfloat16), fx.astype(jnp.bfloat16),
        (((0,), (0,)), ((), ())),
        preferred_element_type=jnp.float32,
    )

    @pl.when(k == 0)
    def _():
        out_ref[...] = jnp.full((H, W), bg_ref[0, 0], jnp.float32)

    out_ref[...] += acc


def _kernel_tc(pos_x, pos_y, height, width, background):
    n = pos_x.shape[0]
    n_pad = ((n + BLK - 1) // BLK) * BLK
    pad = n_pad - n
    pos_x = jnp.pad(pos_x, (0, pad))
    pos_y = jnp.pad(pos_y, (0, pad))
    height = jnp.pad(height, (0, pad))
    width = jnp.pad(width, (0, pad), constant_values=1.0)
    bg = jnp.reshape(background, (1, 1)).astype(jnp.float32)

    grid = n_pad // BLK
    peaks_spec = pl.BlockSpec((BLK,), lambda k: (k,))
    return pl.pallas_call(
        _image_kernel,
        grid=(grid,),
        in_specs=[peaks_spec, peaks_spec, peaks_spec, peaks_spec,
                  pl.BlockSpec(memory_space=pltpu.SMEM)],
        out_specs=pl.BlockSpec((H, W), lambda k: (0, 0)),
        out_shape=jax.ShapeDtypeStruct((H, W), jnp.float32),
    )(pos_x, pos_y, height, width, bg)



from jax.experimental.pallas import tpu_sc as plsc

BAND = 16
NW = 32
NPAD = 10240
ACC_W = W + 2 * BAND
DWIN = 2 * WINDOW + 1


def _sc_body(npad, px_hbm, py_hbm, h_hbm, w_hbm, bg_hbm, out_hbm,
             px_v, py_v, h_v, w_v, bg_v, wl_v, hy_v, acc_v, stage_v):
    wid = lax.axis_index("s") * 2 + lax.axis_index("c")
    base_row = wid * BAND

    pltpu.sync_copy(px_hbm, px_v)
    pltpu.sync_copy(py_hbm, py_v)
    pltpu.sync_copy(h_hbm, h_v)
    pltpu.sync_copy(w_hbm, w_v)
    pltpu.sync_copy(bg_hbm, bg_v)

    iota = lax.iota(jnp.int32, 16)
    bgv = bg_v[...]

    dummy = jnp.full((16,), npad - 1, jnp.int32)

    def _wl_init(i, _):
        wl_v[pl.ds(i * 16, 16)] = dummy
        return 0

    lax.fori_loop(0, (npad + 16) // 16, _wl_init, 0)

    def _acc_init(i, _):
        acc_v[pl.ds(i * 16, 16)] = bgv
        return 0

    lax.fori_loop(0, (BAND * ACC_W) // 16, _acc_init, 0)

    lo = base_row - WINDOW
    hi = base_row + BAND - 1 + WINDOW

    def _scan(i, total):
        py16 = py_v[pl.ds(i * 16, 16)]
        ry = py16.astype(jnp.int32)
        m = (ry >= lo) & (ry <= hi)
        offs = total + plsc.cumsum(m.astype(jnp.int32)) - 1
        plsc.store_scatter(wl_v, [offs], iota + i * 16, mask=m)
        return total + plsc.all_reduce_population_count(m)

    zero_v = jnp.zeros((16,), jnp.int32)
    total_v = lax.fori_loop(0, npad // 16, _scan, zero_v)
    total = total_v[0]

    def _chunk(t, _):
        idx = wl_v[pl.ds(t * 16, 16)]
        pxv = plsc.load_gather(px_v, [idx])
        pyv = plsc.load_gather(py_v, [idx])
        hv = plsc.load_gather(h_v, [idx])
        wv = plsc.load_gather(w_v, [idx])
        ninv = -0.5 / (wv * wv)
        pxi = pxv.astype(jnp.int32)
        fx = pxv - pxi.astype(jnp.float32)
        colbase = pxi + (BAND - WINDOW)

        hx = []
        for d in range(DWIN):
            dd = (d - WINDOW) - fx
            hx.append(jnp.exp((dd * dd) * ninv))

        for r in range(BAND):
            dr = (base_row + r) - pyv
            hy_v[pl.ds(r * 16, 16)] = hv * jnp.exp((dr * dr) * ninv)

        def _row(e, _):
            rot = (iota + e) & 15
            hy_e = plsc.load_gather(hy_v, [rot * 16 + iota])
            base_addr = rot * ACC_W + colbase
            for d in range(DWIN):
                plsc.addupdate_scatter(acc_v, [base_addr + d], hy_e * hx[d])
            return 0

        lax.fori_loop(0, BAND, _row, 0)
        return 0

    lax.fori_loop(0, (total + 15) // 16, _chunk, 0)

    def _compact(r, _):
        for c in range(W // 16):
            stage_v[r, pl.ds(c * 16, 16)] = (
                acc_v[pl.ds(r * ACC_W + BAND + c * 16, 16)])
        return 0

    lax.fori_loop(0, BAND, _compact, 0)
    pltpu.sync_copy(stage_v, out_hbm.at[pl.ds(base_row, BAND)])


@functools.cache
def _make_sc_call(npad):
    return functools.partial(
        pl.kernel,
        mesh=plsc.VectorSubcoreMesh(core_axis_name="c", subcore_axis_name="s"),
        out_type=jax.ShapeDtypeStruct((H, W), jnp.float32),
        compiler_params=pltpu.CompilerParams(needs_layout_passes=False),
        scratch_types=[
            pltpu.VMEM((npad,), jnp.float32),
            pltpu.VMEM((npad,), jnp.float32),
            pltpu.VMEM((npad,), jnp.float32),
            pltpu.VMEM((npad,), jnp.float32),
            pltpu.VMEM((16,), jnp.float32),
            pltpu.VMEM((npad + 16,), jnp.int32),
            pltpu.VMEM((BAND * 16,), jnp.float32),
            pltpu.VMEM((BAND * ACC_W,), jnp.float32),
            pltpu.VMEM((BAND, W), jnp.float32),
        ],
    )(functools.partial(_sc_body, npad))


def _kernel_sc(pos_x, pos_y, height, width, background):
    n = pos_x.shape[0]
    npad = (n // 16 + 1) * 16
    pad = npad - n
    px = jnp.pad(pos_x, (0, pad))
    py = jnp.pad(pos_y, (0, pad), constant_values=1e6)
    h = jnp.pad(height, (0, pad))
    w = jnp.pad(width, (0, pad), constant_values=1.0)
    bg = jnp.full((16,), background, jnp.float32)
    return _make_sc_call(npad)(px, py, h, w, bg)


def kernel(x_grid, y_grid, pos_x, pos_y, height, width, background):
    n = pos_x.shape[0]
    n_tc = (n * 82 // 100) // BLK * BLK
    m = n - n_tc
    sc_img = _kernel_sc(pos_x[:m], pos_y[:m], height[:m], width[:m],
                        background)
    tc_img = _kernel_tc(pos_x[m:], pos_y[m:], height[m:], width[m:],
                        jnp.zeros((), jnp.float32))
    return sc_img + tc_img

# --- scband reference (transcript-rebuilt; emitter-appended) ---
"""Pipeline reference for scband-image-model-72146860638537 (READ-ONLY COPY).

The authoritative reference and input builder live on the scoring server;
editing this copy changes nothing except your own understanding.
"""

import jax, jax.numpy as jnp
import numpy as np

H = 512
W = 512
N_PEAKS = 10000
MAX_WIDTH = 3.0
WINDOW = int(MAX_WIDTH * 4)  # 12 -> 25x25 local window


def model_fn(x, y, pos_x, pos_y, height, width):
    # Gaussian peak shape (concrete implementation of abstract model_fn)
    return height * jnp.exp(-((x - pos_x) ** 2 + (y - pos_y) ** 2) / (2.0 * width ** 2))


def setup_inputs(seed: int = 0) -> dict:
    key = jax.random.key(seed)
    k1, k2, k3, k4 = jax.random.split(key, 4)
    ix = jnp.arange(W, dtype=jnp.float32)
    iy = jnp.arange(H, dtype=jnp.float32)
    x_grid, y_grid = jnp.meshgrid(ix, iy)
    # learned parameters (weights built from input_params in the keras model)
    pos_x = jax.random.uniform(k1, (N_PEAKS,), minval=0.0, maxval=float(W - 1))
    pos_y = jax.random.uniform(k2, (N_PEAKS,), minval=0.0, maxval=float(H - 1))
    height = jax.random.uniform(k3, (N_PEAKS,), minval=0.5, maxval=2.0)
    width = jax.random.uniform(k4, (N_PEAKS,), minval=1.5, maxval=MAX_WIDTH)
    background = jnp.asarray(0.1, dtype=jnp.float32)
    return {
        'x_grid': x_grid,
        'y_grid': y_grid,
        'pos_x': pos_x,
        'pos_y': pos_y,
        'height': height,
        'width': width,
        'background': background,
    }


def reference(x_grid, y_grid, pos_x, pos_y, height, width, background):
    # local (memory-efficient, JIT-compatible) path of ImageModel.sum
    window_coords = jnp.arange(-WINDOW, WINDOW + 1, dtype=x_grid.dtype)
    local_x_grid, local_y_grid = jnp.meshgrid(window_coords, window_coords)
    local_peaks = model_fn(
        local_x_grid[..., None], local_y_grid[..., None],
        jnp.mod(pos_x, 1.0), jnp.mod(pos_y, 1.0), height, width)
    pos_x_int = jnp.floor(pos_x)
    pos_y_int = jnp.floor(pos_y)
    global_x = jnp.expand_dims(local_x_grid, -1) + pos_x_int
    global_y = jnp.expand_dims(local_y_grid, -1) + pos_y_int
    h, w = x_grid.shape
    mask = (global_x >= 0) & (global_x < w) & (global_y >= 0) & (global_y < h)
    masked_peaks = jnp.where(mask, local_peaks, 0.0)
    global_x_safe = jnp.clip(global_x, 0, w - 1).astype(jnp.int32)
    global_y_safe = jnp.clip(global_y, 0, h - 1).astype(jnp.int32)
    total = jnp.zeros_like(x_grid, dtype=jnp.float32)
    total = total.at[global_y_safe, global_x_safe].add(masked_peaks)
    return total + background


if False:  # reference __main__ guard neutralized (emitter)
    out = reference(**setup_inputs())
    print(out.shape, out.dtype)

if __name__ == "__main__":
    import jax
    _d = setup_inputs()
    print(jax.jit(kernel)(*tuple(_d.values())))

</pallas_src>

<mosaic_0001>
#map = affine_map<(d0, d1) -> (0)>
#map1 = affine_map<(d0, d1) -> (0, 0)>
module attributes {stable_mosaic.version = 14 : i64} {
  func.func @_sc_body(%arg0: i32, %arg1: i32, %arg2: memref<1824xf32, #tpu.memory_space<hbm>>, %arg3: memref<1824xf32, #tpu.memory_space<hbm>>, %arg4: memref<1824xf32, #tpu.memory_space<hbm>>, %arg5: memref<1824xf32, #tpu.memory_space<hbm>>, %arg6: memref<16xf32, #tpu.memory_space<hbm>>, %arg7: memref<512x512xf32, #tpu.memory_space<hbm>>, %arg8: memref<1824xf32, #tpu.memory_space<vmem>>, %arg9: memref<1824xf32, #tpu.memory_space<vmem>>, %arg10: memref<1824xf32, #tpu.memory_space<vmem>>, %arg11: memref<1824xf32, #tpu.memory_space<vmem>>, %arg12: memref<16xf32, #tpu.memory_space<vmem>>, %arg13: memref<1840xi32, #tpu.memory_space<vmem>>, %arg14: memref<256xf32, #tpu.memory_space<vmem>>, %arg15: memref<8704xf32, #tpu.memory_space<vmem>>, %arg16: memref<16x512xf32, #tpu.memory_space<vmem>>) attributes {dimension_semantics = [#tpu.dimension_semantics<core_parallel>, #tpu.dimension_semantics<subcore_parallel>], iteration_bounds = array<i64: 2, 16>, scalar_prefetch = 0 : i64, scratch_operands = 9 : i64, tpu.core_type = #tpu.core_type<sc_vector_subcore>, window_params = [{transform_indices = #map}, {transform_indices = #map}, {transform_indices = #map}, {transform_indices = #map}, {transform_indices = #map}, {transform_indices = #map1}]} {
    %mul3A = arith.constant 2 : i32
    %mul3A_0 = arith.muli %arg1, %mul3A : i32
    %add3A = arith.addi %mul3A_0, %arg0 : i32
    %mul3A_1 = arith.constant 16 : i32
    %mul3A_2 = arith.muli %add3A, %mul3A_1 : i32
    "tpu.region"() ({
      %run_scoped3A = tpu.sem_alloc : memref<!tpu.dma_semaphore, #tpu.memory_space<semaphore_mem>>
      tpu.enqueue_dma source(%arg2 : memref<1824xf32, #tpu.memory_space<hbm>>) target(%arg8 : memref<1824xf32, #tpu.memory_space<vmem>>) target_semaphore(%run_scoped3A : memref<!tpu.dma_semaphore, #tpu.memory_space<semaphore_mem>>)
      tpu.wait_dma2 semaphore(%run_scoped3A : memref<!tpu.dma_semaphore, #tpu.memory_space<semaphore_mem>>) src(%arg2 : memref<1824xf32, #tpu.memory_space<hbm>>) dst(%arg8 : memref<1824xf32, #tpu.memory_space<vmem>>)
      tpu.yield
    }) : () -> ()
    "tpu.region"() ({
      %run_scoped3A = tpu.sem_alloc : memref<!tpu.dma_semaphore, #tpu.memory_space<semaphore_mem>>
      tpu.enqueue_dma source(%arg3 : memref<1824xf32, #tpu.memory_space<hbm>>) target(%arg9 : memref<1824xf32, #tpu.memory_space<vmem>>) target_semaphore(%run_scoped3A : memref<!tpu.dma_semaphore, #tpu.memory_space<semaphore_mem>>)
      tpu.wait_dma2 semaphore(%run_scoped3A : memref<!tpu.dma_semaphore, #tpu.memory_space<semaphore_mem>>) src(%arg3 : memref<1824xf32, #tpu.memory_space<hbm>>) dst(%arg9 : memref<1824xf32, #tpu.memory_space<vmem>>)
      tpu.yield
    }) : () -> ()
    "tpu.region"() ({
      %run_scoped3A = tpu.sem_alloc : memref<!tpu.dma_semaphore, #tpu.memory_space<semaphore_mem>>
      tpu.enqueue_dma source(%arg4 : memref<1824xf32, #tpu.memory_space<hbm>>) target(%arg10 : memref<1824xf32, #tpu.memory_space<vmem>>) target_semaphore(%run_scoped3A : memref<!tpu.dma_semaphore, #tpu.memory_space<semaphore_mem>>)
      tpu.wait_dma2 semaphore(%run_scoped3A : memref<!tpu.dma_semaphore, #tpu.memory_space<semaphore_mem>>) src(%arg4 : memref<1824xf32, #tpu.memory_space<hbm>>) dst(%arg10 : memref<1824xf32, #tpu.memory_space<vmem>>)
      tpu.yield
    }) : () -> ()
    "tpu.region"() ({
      %run_scoped3A = tpu.sem_alloc : memref<!tpu.dma_semaphore, #tpu.memory_space<semaphore_mem>>
      tpu.enqueue_dma source(%arg5 : memref<1824xf32, #tpu.memory_space<hbm>>) target(%arg11 : memref<1824xf32, #tpu.memory_space<vmem>>) target_semaphore(%run_scoped3A : memref<!tpu.dma_semaphore, #tpu.memory_space<semaphore_mem>>)
      tpu.wait_dma2 semaphore(%run_scoped3A : memref<!tpu.dma_semaphore, #tpu.memory_space<semaphore_mem>>) src(%arg5 : memref<1824xf32, #tpu.memory_space<hbm>>) dst(%arg11 : memref<1824xf32, #tpu.memory_space<vmem>>)
      tpu.yield
    }) : () -> ()
    "tpu.region"() ({
      %run_scoped3A = tpu.sem_alloc : memref<!tpu.dma_semaphore, #tpu.memory_space<semaphore_mem>>
      tpu.enqueue_dma source(%arg6 : memref<16xf32, #tpu.memory_space<hbm>>) target(%arg12 : memref<16xf32, #tpu.memory_space<vmem>>) target_semaphore(%run_scoped3A : memref<!tpu.dma_semaphore, #tpu.memory_space<semaphore_mem>>)
      tpu.wait_dma2 semaphore(%run_scoped3A : memref<!tpu.dma_semaphore, #tpu.memory_space<semaphore_mem>>) src(%arg6 : memref<16xf32, #tpu.memory_space<hbm>>) dst(%arg12 : memref<16xf32, #tpu.memory_space<vmem>>)
      tpu.yield
    }) : () -> ()
    %iota3A = tpu.iota {dimensions = array<i32: 0>} : vector<16xi32>
    %get3A = arith.constant 0 : index
    %get3A_3 = tpu.vector_load %arg12[%get3A] {strides = array<i32>} : memref<16xf32, #tpu.memory_space<vmem>>, vector<16xf32>,
    %broadcast_in_dim3A = arith.constant 1823 : i32
    %broadcast_in_dim3A_4 = vector.broadcast %broadcast_in_dim3A : i32 to vector<16xi32>
    %scan3A = arith.constant 0 : i32
    %scan3A_5 = arith.constant 0 : i32
    %scan3A_6 = arith.constant 115 : i32
    %scan3A_7 = arith.addi %scan3A_5, %scan3A_6 : i32
    %scan3A_8 = arith.constant 1 : i32
    %scan3A_9 = scf.for %scan3A_70 = %scan3A_5 to %scan3A_7 step %scan3A_8 iter_args(%scan3A_71 = %scan3A) -> (i32)  : i32 {
      %mul3A_72 = arith.constant 16 : i32
      %mul3A_73 = arith.muli %scan3A_70, %mul3A_72 : i32
      %swap3A = arith.index_cast %mul3A_73 : i32 to index
      %swap3A_74 = tpu.vector_load %arg13[%swap3A] {strides = array<i32>} : memref<1840xi32, #tpu.memory_space<vmem>>, vector<16xi32>,
      tpu.vector_store %arg13[%swap3A], %broadcast_in_dim3A_4 {strides = array<i32>} : memref<1840xi32, #tpu.memory_space<vmem>>, vector<16xi32>,
      %scan3A_75 = arith.constant 0 : i32
      scf.yield %scan3A_75 : i32
    }
    %scan3A_10 = arith.constant 115 : i32
    %scan3A_11 = arith.constant 0 : i32
    %scan3A_12 = arith.constant 0 : i32
    %scan3A_13 = arith.constant 544 : i32
    %scan3A_14 = arith.addi %scan3A_12, %scan3A_13 : i32
    %scan3A_15 = arith.constant 1 : i32
    %scan3A_16 = scf.for %scan3A_70 = %scan3A_12 to %scan3A_14 step %scan3A_15 iter_args(%scan3A_71 = %scan3A_11) -> (i32)  : i32 {
      %mul3A_72 = arith.constant 16 : i32
      %mul3A_73 = arith.muli %scan3A_70, %mul3A_72 : i32
      %swap3A = arith.index_cast %mul3A_73 : i32 to index
      %swap3A_74 = tpu.vector_load %arg15[%swap3A] {strides = array<i32>} : memref<8704xf32, #tpu.memory_space<vmem>>, vector<16xf32>,
      tpu.vector_store %arg15[%swap3A], %get3A_3 {strides = array<i32>} : memref<8704xf32, #tpu.memory_space<vmem>>, vector<16xf32>,
      %scan3A_75 = arith.constant 0 : i32
      scf.yield %scan3A_75 : i32
    }
    %scan3A_17 = arith.constant 544 : i32
    %sub3A = arith.constant 12 : i32
    %sub3A_18 = arith.subi %mul3A_2, %sub3A : i32
    %add3A_19 = arith.constant 16 : i32
    %add3A_20 = arith.addi %mul3A_2, %add3A_19 : i32
    %sub3A_21 = arith.constant 1 : i32
    %sub3A_22 = arith.subi %add3A_20, %sub3A_21 : i32
    %add3A_23 = arith.constant 12 : i32
    %add3A_24 = arith.addi %sub3A_22, %add3A_23 : i32
    %broadcast_in_dim3A_25 = arith.constant 0 : i32
    %broadcast_in_dim3A_26 = vector.broadcast %broadcast_in_dim3A_25 : i32 to vector<16xi32>
    %scan3A_27 = arith.constant 0 : i32
    %scan3A_28 = arith.constant 114 : i32
    %scan3A_29 = arith.addi %scan3A_27, %scan3A_28 : i32
    %scan3A_30 = arith.constant 1 : i32
    %scan3A_31 = scf.for %scan3A_70 = %scan3A_27 to %scan3A_29 step %scan3A_30 iter_args(%scan3A_71 = %broadcast_in_dim3A_26) -> (vector<16xi32>)  : i32 {
      %mul3A_72 = arith.constant 16 : i32
      %mul3A_73 = arith.muli %scan3A_70, %mul3A_72 : i32
      %get3A_74 = arith.index_cast %mul3A_73 : i32 to index
      %get3A_75 = tpu.vector_load %arg9[%get3A_74] {strides = array<i32>} : memref<1824xf32, #tpu.memory_space<vmem>>, vector<16xf32>,
      %convert_element_type3A = arith.fptosi %get3A_75 : vector<16xf32> to vector<16xi32>
      %ge3A = vector.broadcast %sub3A_18 : i32 to vector<16xi32>
      %ge3A_76 = arith.cmpi sge, %convert_element_type3A, %ge3A : vector<16xi32>
      %le3A = vector.broadcast %add3A_24 : i32 to vector<16xi32>
      %le3A_77 = arith.cmpi sle, %convert_element_type3A, %le3A : vector<16xi32>
      %and3A_78 = arith.andi %ge3A_76, %le3A_77 : vector<16xi1>
      %convert_element_type3A_79 = arith.extui %and3A_78 : vector<16xi1> to vector<16xi32>
      %broadcast_in_dim3A_80 = arith.constant true
      %broadcast_in_dim3A_81 = vector.broadcast %broadcast_in_dim3A_80 : i1 to vector<16xi1>
      %masked_cumsum3A = tpu.scan <sum>, %convert_element_type3A_79 masked %broadcast_in_dim3A_81 : vector<16xi32>, vector<16xi1> -> vector<16xi32>
      %add3A_82 = arith.addi %scan3A_71, %masked_cumsum3A : vector<16xi32>
      %sub3A_83 = arith.constant 1 : i32
      %sub3A_84 = vector.broadcast %sub3A_83 : i32 to vector<16xi32>
      %sub3A_85 = arith.subi %add3A_82, %sub3A_84 : vector<16xi32>
      %mul3A_86 = arith.constant 16 : i32
      %mul3A_87 = arith.muli %scan3A_70, %mul3A_86 : i32
      %add3A_88 = vector.broadcast %mul3A_87 : i32 to vector<16xi32>
      %add3A_89 = arith.addi %iota3A, %add3A_88 : vector<16xi32>
      tpu.vector_store_idx %arg13[%sub3A_85], %add3A_89 masked %and3A_78 : memref<1840xi32, #tpu.memory_space<vmem>>[vector<16xi32>], vector<16xi32>, vector<16xi1>
      %all_reduce_population_count3A = tpu.all_reduce %and3A_78 {dim = 0 : i64, kind = #tpu.reduction_kind<sum>} : vector<16xi1> -> vector<16xi32>
      %add3A_90 = arith.addi %scan3A_71, %all_reduce_population_count3A : vector<16xi32>
      scf.yield %add3A_90 : vector<16xi32>
    }
    %scan3A_32 = arith.constant 114 : i32
    %slice3A = vector.extract_strided_slice %scan3A_31 {offsets = [0], sizes = [1], strides = [1]} : vector<16xi32> to vector<1xi32>
    %squeeze3A = vector.extract %slice3A[0] : i32 from vector<1xi32>
    %add3A_33 = arith.constant 15 : i32
    %add3A_34 = arith.addi %squeeze3A, %add3A_33 : i32
    %jit3A = arith.constant 16 : i32
    %div3A = arith.divsi %add3A_34, %jit3A : i32
    %sign3A = arith.constant 0 : i32
    %sign3A_35 = arith.cmpi sgt, %add3A_34, %sign3A : i32
    %sign3A_36 = arith.extui %sign3A_35 : i1 to i32
    %sign3A_37 = arith.constant 0 : i32
    %sign3A_38 = arith.cmpi slt, %add3A_34, %sign3A_37 : i32
    %sign3A_39 = arith.extui %sign3A_38 : i1 to i32
    %sign3A_40 = arith.subi %sign3A_36, %sign3A_39 : i32
    %sign3A_41 = arith.constant 0 : i32
    %sign3A_42 = arith.cmpi sgt, %jit3A, %sign3A_41 : i32
    %sign3A_43 = arith.extui %sign3A_42 : i1 to i32
    %sign3A_44 = arith.constant 0 : i32
    %sign3A_45 = arith.cmpi slt, %jit3A, %sign3A_44 : i32
    %sign3A_46 = arith.extui %sign3A_45 : i1 to i32
    %sign3A_47 = arith.subi %sign3A_43, %sign3A_46 : i32
    %ne3A = arith.cmpi ne, %sign3A_40, %sign3A_47 : i32
    %rem3A = arith.remsi %add3A_34, %jit3A : i32
    %ne3A_48 = arith.constant 0 : i32
    %ne3A_49 = arith.cmpi ne, %rem3A, %ne3A_48 : i32
    %and3A = arith.andi %ne3A, %ne3A_49 : i1
    %sub3A_50 = arith.constant 1 : i32
    %sub3A_51 = arith.subi %div3A, %sub3A_50 : i32
    %select_n3A = arith.select %and3A, %sub3A_51, %div3A : i32
    %while3A = arith.constant 0 : i32
    %while3A_52 = arith.constant 0 : i32
    %while3A_53 = arith.subi %select_n3A, %while3A : i32
    %while3A_54 = arith.addi %while3A, %while3A_53 : i32
    %while3A_55 = arith.constant 1 : i32
    %while3A_56 = arith.divsi %while3A_53, %while3A_55 : i32
    %while3A_57 = arith.muli %while3A_56, %while3A_55 : i32
    %while3A_58 = arith.addi %while3A, %while3A_57 : i32
    %while3A_59 = arith.constant 1 : i32
    %while3A_60 = scf.for %while3A_70 = %while3A to %while3A_58 step %while3A_59 iter_args(%while3A_71 = %while3A_52) -> (i32)  : i32 {
      %mul3A_72 = arith.constant 16 : i32
      %mul3A_73 = arith.muli %while3A_70, %mul3A_72 : i32
      %get3A_74 = arith.index_cast %mul3A_73 : i32 to index
      %get3A_75 = tpu.vector_load %arg13[%get3A_74] {strides = array<i32>} : memref<1840xi32, #tpu.memory_space<vmem>>, vector<16xi32>,
      %gather3A = tpu.vector_load_idx %arg8[%get3A_75] : memref<1824xf32, #tpu.memory_space<vmem>>[vector<16xi32>], vector<16xf32>,
      %gather3A_76 = tpu.vector_load_idx %arg9[%get3A_75] : memref<1824xf32, #tpu.memory_space<vmem>>[vector<16xi32>], vector<16xf32>,
      %gather3A_77 = tpu.vector_load_idx %arg10[%get3A_75] : memref<1824xf32, #tpu.memory_space<vmem>>[vector<16xi32>], vector<16xf32>,
      %gather3A_78 = tpu.vector_load_idx %arg11[%get3A_75] : memref<1824xf32, #tpu.memory_space<vmem>>[vector<16xi32>], vector<16xf32>,
      %mul3A_79 = arith.mulf %gather3A_78, %gather3A_78 : vector<16xf32>
      %div3A_80 = arith.constant -5.000000e-01 : f32
      %div3A_81 = vector.broadcast %div3A_80 : f32 to vector<16xf32>
      %div3A_82 = arith.divf %div3A_81, %mul3A_79 : vector<16xf32>
      %convert_element_type3A = arith.fptosi %gather3A : vector<16xf32> to vector<16xi32>
      %convert_element_type3A_83 = arith.sitofp %convert_element_type3A : vector<16xi32> to vector<16xf32>
      %sub3A_84 = arith.subf %gather3A, %convert_element_type3A_83 : vector<16xf32>
      %add3A_85 = arith.constant 4 : i32
      %add3A_86 = vector.broadcast %add3A_85 : i32 to vector<16xi32>
      %add3A_87 = arith.addi %convert_element_type3A, %add3A_86 : vector<16xi32>
      %sub3A_88 = arith.constant -1.200000e+01 : f32
      %sub3A_89 = vector.broadcast %sub3A_88 : f32 to vector<16xf32>
      %sub3A_90 = arith.subf %sub3A_89, %sub3A_84 : vector<16xf32>
      %mul3A_91 = arith.mulf %sub3A_90, %sub3A_90 : vector<16xf32>
      %mul3A_92 = arith.mulf %mul3A_91, %div3A_82 : vector<16xf32>
      %exp3A = math.exp %mul3A_92 : vector<16xf32>
      %sub3A_93 = arith.constant -1.100000e+01 : f32
      %sub3A_94 = vector.broadcast %sub3A_93 : f32 to vector<16xf32>
      %sub3A_95 = arith.subf %sub3A_94, %sub3A_84 : vector<16xf32>
      %mul3A_96 = arith.mulf %sub3A_95, %sub3A_95 : vector<16xf32>
      %mul3A_97 = arith.mulf %mul3A_96, %div3A_82 : vector<16xf32>
      %exp3A_98 = math.exp %mul3A_97 : vector<16xf32>
      %sub3A_99 = arith.constant -1.000000e+01 : f32
      %sub3A_100 = vector.broadcast %sub3A_99 : f32 to vector<16xf32>
      %sub3A_101 = arith.subf %sub3A_100, %sub3A_84 : vector<16xf32>
      %mul3A_102 = arith.mulf %sub3A_101, %sub3A_101 : vector<16xf32>
      %mul3A_103 = arith.mulf %mul3A_102, %div3A_82 : vector<16xf32>
      %exp3A_104 = math.exp %mul3A_103 : vector<16xf32>
      %sub3A_105 = arith.constant -9.000000e+00 : f32
      %sub3A_106 = vector.broadcast %sub3A_105 : f32 to vector<16xf32>
      %sub3A_107 = arith.subf %sub3A_106, %sub3A_84 : vector<16xf32>
      %mul3A_108 = arith.mulf %sub3A_107, %sub3A_107 : vector<16xf32>
      %mul3A_109 = arith.mulf %mul3A_108, %div3A_82 : vector<16xf32>
      %exp3A_110 = math.exp %mul3A_109 : vector<16xf32>
      %sub3A_111 = arith.constant -8.000000e+00 : f32
      %sub3A_112 = vector.broadcast %sub3A_111 : f32 to vector<16xf32>
      %sub3A_113 = arith.subf %sub3A_112, %sub3A_84 : vector<16xf32>
      %mul3A_114 = arith.mulf %sub3A_113, %sub3A_113 : vector<16xf32>
      %mul3A_115 = arith.mulf %mul3A_114, %div3A_82 : vector<16xf32>
      %exp3A_116 = math.exp %mul3A_115 : vector<16xf32>
      %sub3A_117 = arith.constant -7.000000e+00 : f32
      %sub3A_118 = vector.broadcast %sub3A_117 : f32 to vector<16xf32>
      %sub3A_119 = arith.subf %sub3A_118, %sub3A_84 : vector<16xf32>
      %mul3A_120 = arith.mulf %sub3A_119, %sub3A_119 : vector<16xf32>
      %mul3A_121 = arith.mulf %mul3A_120, %div3A_82 : vector<16xf32>
      %exp3A_122 = math.exp %mul3A_121 : vector<16xf32>
      %sub3A_123 = arith.constant -6.000000e+00 : f32
      %sub3A_124 = vector.broadcast %sub3A_123 : f32 to vector<16xf32>
      %sub3A_125 = arith.subf %sub3A_124, %sub3A_84 : vector<16xf32>
      %mul3A_126 = arith.mulf %sub3A_125, %sub3A_125 : vector<16xf32>
      %mul3A_127 = arith.mulf %mul3A_126, %div3A_82 : vector<16xf32>
      %exp3A_128 = math.exp %mul3A_127 : vector<16xf32>
      %sub3A_129 = arith.constant -5.000000e+00 : f32
      %sub3A_130 = vector.broadcast %sub3A_129 : f32 to vector<16xf32>
      %sub3A_131 = arith.subf %sub3A_130, %sub3A_84 : vector<16xf32>
      %mul3A_132 = arith.mulf %sub3A_131, %sub3A_131 : vector<16xf32>
      %mul3A_133 = arith.mulf %mul3A_132, %div3A_82 : vector<16xf32>
      %exp3A_134 = math.exp %mul3A_133 : vector<16xf32>
      %sub3A_135 = arith.constant -4.000000e+00 : f32
      %sub3A_136 = vector.broadcast %sub3A_135 : f32 to vector<16xf32>
      %sub3A_137 = arith.subf %sub3A_136, %sub3A_84 : vector<16xf32>
      %mul3A_138 = arith.mulf %sub3A_137, %sub3A_137 : vector<16xf32>
      %mul3A_139 = arith.mulf %mul3A_138, %div3A_82 : vector<16xf32>
      %exp3A_140 = math.exp %mul3A_139 : vector<16xf32>
      %sub3A_141 = arith.constant -3.000000e+00 : f32
      %sub3A_142 = vector.broadcast %sub3A_141 : f32 to vector<16xf32>
      %sub3A_143 = arith.subf %sub3A_142, %sub3A_84 : vector<16xf32>
      %mul3A_144 = arith.mulf %sub3A_143, %sub3A_143 : vector<16xf32>
      %mul3A_145 = arith.mulf %mul3A_144, %div3A_82 : vector<16xf32>
      %exp3A_146 = math.exp %mul3A_145 : vector<16xf32>
      %sub3A_147 = arith.constant -2.000000e+00 : f32
      %sub3A_148 = vector.broadcast %sub3A_147 : f32 to vector<16xf32>
      %sub3A_149 = arith.subf %sub3A_148, %sub3A_84 : vector<16xf32>
      %mul3A_150 = arith.mulf %sub3A_149, %sub3A_149 : vector<16xf32>
      %mul3A_151 = arith.mulf %mul3A_150, %div3A_82 : vector<16xf32>
      %exp3A_152 = math.exp %mul3A_151 : vector<16xf32>
      %sub3A_153 = arith.constant -1.000000e+00 : f32
      %sub3A_154 = vector.broadcast %sub3A_153 : f32 to vector<16xf32>
      %sub3A_155 = arith.subf %sub3A_154, %sub3A_84 : vector<16xf32>
      %mul3A_156 = arith.mulf %sub3A_155, %sub3A_155 : vector<16xf32>
      %mul3A_157 = arith.mulf %mul3A_156, %div3A_82 : vector<16xf32>
      %exp3A_158 = math.exp %mul3A_157 : vector<16xf32>
      %sub3A_159 = arith.constant 0.000000e+00 : f32
      %sub3A_160 = vector.broadcast %sub3A_159 : f32 to vector<16xf32>
      %sub3A_161 = arith.subf %sub3A_160, %sub3A_84 : vector<16xf32>
      %mul3A_162 = arith.mulf %sub3A_161, %sub3A_161 : vector<16xf32>
      %mul3A_163 = arith.mulf %mul3A_162, %div3A_82 : vector<16xf32>
      %exp3A_164 = math.exp %mul3A_163 : vector<16xf32>
      %sub3A_165 = arith.constant 1.000000e+00 : f32
      %sub3A_166 = vector.broadcast %sub3A_165 : f32 to vector<16xf32>
      %sub3A_167 = arith.subf %sub3A_166, %sub3A_84 : vector<16xf32>
      %mul3A_168 = arith.mulf %sub3A_167, %sub3A_167 : vector<16xf32>
      %mul3A_169 = arith.mulf %mul3A_168, %div3A_82 : vector<16xf32>
      %exp3A_170 = math.exp %mul3A_169 : vector<16xf32>
      %sub3A_171 = arith.constant 2.000000e+00 : f32
      %sub3A_172 = vector.broadcast %sub3A_171 : f32 to vector<16xf32>
      %sub3A_173 = arith.subf %sub3A_172, %sub3A_84 : vector<16xf32>
      %mul3A_174 = arith.mulf %sub3A_173, %sub3A_173 : vector<16xf32>
      %mul3A_175 = arith.mulf %mul3A_174, %div3A_82 : vector<16xf32>
      %exp3A_176 = math.exp %mul3A_175 : vector<16xf32>
      %sub3A_177 = arith.constant 3.000000e+00 : f32
      %sub3A_178 = vector.broadcast %sub3A_177 : f32 to vector<16xf32>
      %sub3A_179 = arith.subf %sub3A_178, %sub3A_84 : vector<16xf32>
      %mul3A_180 = arith.mulf %sub3A_179, %sub3A_179 : vector<16xf32>
      %mul3A_181 = arith.mulf %mul3A_180, %div3A_82 : vector<16xf32>
      %exp3A_182 = math.exp %mul3A_181 : vector<16xf32>
      %sub3A_183 = arith.constant 4.000000e+00 : f32
      %sub3A_184 = vector.broadcast %sub3A_183 : f32 to vector<16xf32>
      %sub3A_185 = arith.subf %sub3A_184, %sub3A_84 : vector<16xf32>
      %mul3A_186 = arith.mulf %sub3A_185, %sub3A_185 : vector<16xf32>
      %mul3A_187 = arith.mulf %mul3A_186, %div3A_82 : vector<16xf32>
      %exp3A_188 = math.exp %mul3A_187 : vector<16xf32>
      %sub3A_189 = arith.constant 5.000000e+00 : f32
      %sub3A_190 = vector.broadcast %sub3A_189 : f32 to vector<16xf32>
      %sub3A_191 = arith.subf %sub3A_190, %sub3A_84 : vector<16xf32>
      %mul3A_192 = arith.mulf %sub3A_191, %sub3A_191 : vector<16xf32>
      %mul3A_193 = arith.mulf %mul3A_192, %div3A_82 : vector<16xf32>
      %exp3A_194 = math.exp %mul3A_193 : vector<16xf32>
      %sub3A_195 = arith.constant 6.000000e+00 : f32
      %sub3A_196 = vector.broadcast %sub3A_195 : f32 to vector<16xf32>
      %sub3A_197 = arith.subf %sub3A_196, %sub3A_84 : vector<16xf32>
      %mul3A_198 = arith.mulf %sub3A_197, %sub3A_197 : vector<16xf32>
      %mul3A_199 = arith.mulf %mul3A_198, %div3A_82 : vector<16xf32>
      %exp3A_200 = math.exp %mul3A_199 : vector<16xf32>
      %sub3A_201 = arith.constant 7.000000e+00 : f32
      %sub3A_202 = vector.broadcast %sub3A_201 : f32 to vector<16xf32>
      %sub3A_203 = arith.subf %sub3A_202, %sub3A_84 : vector<16xf32>
      %mul3A_204 = arith.mulf %sub3A_203, %sub3A_203 : vector<16xf32>
      %mul3A_205 = arith.mulf %mul3A_204, %div3A_82 : vector<16xf32>
      %exp3A_206 = math.exp %mul3A_205 : vector<16xf32>
      %sub3A_207 = arith.constant 8.000000e+00 : f32
      %sub3A_208 = vector.broadcast %sub3A_207 : f32 to vector<16xf32>
      %sub3A_209 = arith.subf %sub3A_208, %sub3A_84 : vector<16xf32>
      %mul3A_210 = arith.mulf %sub3A_209, %sub3A_209 : vector<16xf32>
      %mul3A_211 = arith.mulf %mul3A_210, %div3A_82 : vector<16xf32>
      %exp3A_212 = math.exp %mul3A_211 : vector<16xf32>
      %sub3A_213 = arith.constant 9.000000e+00 : f32
      %sub3A_214 = vector.broadcast %sub3A_213 : f32 to vector<16xf32>
      %sub3A_215 = arith.subf %sub3A_214, %sub3A_84 : vector<16xf32>
      %mul3A_216 = arith.mulf %sub3A_215, %sub3A_215 : vector<16xf32>
      %mul3A_217 = arith.mulf %mul3A_216, %div3A_82 : vector<16xf32>
      %exp3A_218 = math.exp %mul3A_217 : vector<16xf32>
      %sub3A_219 = arith.constant 1.000000e+01 : f32
      %sub3A_220 = vector.broadcast %sub3A_219 : f32 to vector<16xf32>
      %sub3A_221 = arith.subf %sub3A_220, %sub3A_84 : vector<16xf32>
      %mul3A_222 = arith.mulf %sub3A_221, %sub3A_221 : vector<16xf32>
      %mul3A_223 = arith.mulf %mul3A_222, %div3A_82 : vector<16xf32>
      %exp3A_224 = math.exp %mul3A_223 : vector<16xf32>
      %sub3A_225 = arith.constant 1.100000e+01 : f32
      %sub3A_226 = vector.broadcast %sub3A_225 : f32 to vector<16xf32>
      %sub3A_227 = arith.subf %sub3A_226, %sub3A_84 : vector<16xf32>
      %mul3A_228 = arith.mulf %sub3A_227, %sub3A_227 : vector<16xf32>
      %mul3A_229 = arith.mulf %mul3A_228, %div3A_82 : vector<16xf32>
      %exp3A_230 = math.exp %mul3A_229 : vector<16xf32>
      %sub3A_231 = arith.constant 1.200000e+01 : f32
      %sub3A_232 = vector.broadcast %sub3A_231 : f32 to vector<16xf32>
      %sub3A_233 = arith.subf %sub3A_232, %sub3A_84 : vector<16xf32>
      %mul3A_234 = arith.mulf %sub3A_233, %sub3A_233 : vector<16xf32>
      %mul3A_235 = arith.mulf %mul3A_234, %div3A_82 : vector<16xf32>
      %exp3A_236 = math.exp %mul3A_235 : vector<16xf32>
      %add3A_237 = arith.constant 0 : i32
      %add3A_238 = arith.addi %mul3A_2, %add3A_237 : i32
      %convert_element_type3A_239 = arith.sitofp %add3A_238 : i32 to f32
      %sub3A_240 = vector.broadcast %convert_element_type3A_239 : f32 to vector<16xf32>
      %sub3A_241 = arith.subf %sub3A_240, %gather3A_76 : vector<16xf32>
      %mul3A_242 = arith.mulf %sub3A_241, %sub3A_241 : vector<16xf32>
      %mul3A_243 = arith.mulf %mul3A_242, %div3A_82 : vector<16xf32>
      %exp3A_244 = math.exp %mul3A_243 : vector<16xf32>
      %mul3A_245 = arith.mulf %gather3A_77, %exp3A_244 : vector<16xf32>
      %swap3A = arith.constant 0 : index
      %swap3A_246 = tpu.vector_load %arg14[%swap3A] {strides = array<i32>} : memref<256xf32, #tpu.memory_space<vmem>>, vector<16xf32>,
      tpu.vector_store %arg14[%swap3A], %mul3A_245 {strides = array<i32>} : memref<256xf32, #tpu.memory_space<vmem>>, vector<16xf32>,
      %add3A_247 = arith.constant 1 : i32
      %add3A_248 = arith.addi %mul3A_2, %add3A_247 : i32
      %convert_element_type3A_249 = arith.sitofp %add3A_248 : i32 to f32
      %sub3A_250 = vector.broadcast %convert_element_type3A_249 : f32 to vector<16xf32>
      %sub3A_251 = arith.subf %sub3A_250, %gather3A_76 : vector<16xf32>
      %mul3A_252 = arith.mulf %sub3A_251, %sub3A_251 : vector<16xf32>
      %mul3A_253 = arith.mulf %mul3A_252, %div3A_82 : vector<16xf32>
      %exp3A_254 = math.exp %mul3A_253 : vector<16xf32>
      %mul3A_255 = arith.mulf %gather3A_77, %exp3A_254 : vector<16xf32>
      %swap3A_256 = arith.constant 16 : index
      %swap3A_257 = tpu.vector_load %arg14[%swap3A_256] {strides = array<i32>} : memref<256xf32, #tpu.memory_space<vmem>>, vector<16xf32>,
      tpu.vector_store %arg14[%swap3A_256], %mul3A_255 {strides = array<i32>} : memref<256xf32, #tpu.memory_space<vmem>>, vector<16xf32>,
      %add3A_258 = arith.constant 2 : i32
      %add3A_259 = arith.addi %mul3A_2, %add3A_258 : i32
      %convert_element_type3A_260 = arith.sitofp %add3A_259 : i32 to f32
      %sub3A_261 = vector.broadcast %convert_element_type3A_260 : f32 to vector<16xf32>
      %sub3A_262 = arith.subf %sub3A_261, %gather3A_76 : vector<16xf32>
      %mul3A_263 = arith.mulf %sub3A_262, %sub3A_262 : vector<16xf32>
      %mul3A_264 = arith.mulf %mul3A_263, %div3A_82 : vector<16xf32>
      %exp3A_265 = math.exp %mul3A_264 : vector<16xf32>
      %mul3A_266 = arith.mulf %gather3A_77, %exp3A_265 : vector<16xf32>
      %swap3A_267 = arith.constant 32 : index
      %swap3A_268 = tpu.vector_load %arg14[%swap3A_267] {strides = array<i32>} : memref<256xf32, #tpu.memory_space<vmem>>, vector<16xf32>,
      tpu.vector_store %arg14[%swap3A_267], %mul3A_266 {strides = array<i32>} : memref<256xf32, #tpu.memory_space<vmem>>, vector<16xf32>,
      %add3A_269 = arith.constant 3 : i32
      %add3A_270 = arith.addi %mul3A_2, %add3A_269 : i32
      %convert_element_type3A_271 = arith.sitofp %add3A_270 : i32 to f32
      %sub3A_272 = vector.broadcast %convert_element_type3A_271 : f32 to vector<16xf32>
      %sub3A_273 = arith.subf %sub3A_272, %gather3A_76 : vector<16xf32>
      %mul3A_274 = arith.mulf %sub3A_273, %sub3A_273 : vector<16xf32>
      %mul3A_275 = arith.mulf %mul3A_274, %div3A_82 : vector<16xf32>
      %exp3A_276 = math.exp %mul3A_275 : vector<16xf32>
      %mul3A_277 = arith.mulf %gather3A_77, %exp3A_276 : vector<16xf32>
      %swap3A_278 = arith.constant 48 : index
      %swap3A_279 = tpu.vector_load %arg14[%swap3A_278] {strides = array<i32>} : memref<256xf32, #tpu.memory_space<vmem>>, vector<16xf32>,
      tpu.vector_store %arg14[%swap3A_278], %mul3A_277 {strides = array<i32>} : memref<256xf32, #tpu.memory_space<vmem>>, vector<16xf32>,
      %add3A_280 = arith.constant 4 : i32
      %add3A_281 = arith.addi %mul3A_2, %add3A_280 : i32
      %convert_element_type3A_282 = arith.sitofp %add3A_281 : i32 to f32
      %sub3A_283 = vector.broadcast %convert_element_type3A_282 : f32 to vector<16xf32>
      %sub3A_284 = arith.subf %sub3A_283, %gather3A_76 : vector<16xf32>
      %mul3A_285 = arith.mulf %sub3A_284, %sub3A_284 : vector<16xf32>
      %mul3A_286 = arith.mulf %mul3A_285, %div3A_82 : vector<16xf32>
      %exp3A_287 = math.exp %mul3A_286 : vector<16xf32>
      %mul3A_288 = arith.mulf %gather3A_77, %exp3A_287 : vector<16xf32>
      %swap3A_289 = arith.constant 64 : index
      %swap3A_290 = tpu.vector_load %arg14[%swap3A_289] {strides = array<i32>} : memref<256xf32, #tpu.memory_space<vmem>>, vector<16xf32>,
      tpu.vector_store %arg14[%swap3A_289], %mul3A_288 {strides = array<i32>} : memref<256xf32, #tpu.memory_space<vmem>>, vector<16xf32>,
      %add3A_291 = arith.constant 5 : i32
      %add3A_292 = arith.addi %mul3A_2, %add3A_291 : i32
      %convert_element_type3A_293 = arith.sitofp %add3A_292 : i32 to f32
      %sub3A_294 = vector.broadcast %convert_element_type3A_293 : f32 to vector<16xf32>
      %sub3A_295 = arith.subf %sub3A_294, %gather3A_76 : vector<16xf32>
      %mul3A_296 = arith.mulf %sub3A_295, %sub3A_295 : vector<16xf32>
      %mul3A_297 = arith.mulf %mul3A_296, %div3A_82 : vector<16xf32>
      %exp3A_298 = math.exp %mul3A_297 : vector<16xf32>
      %mul3A_299 = arith.mulf %gather3A_77, %exp3A_298 : vector<16xf32>
      %swap3A_300 = arith.constant 80 : index
      %swap3A_301 = tpu.vector_load %arg14[%swap3A_300] {strides = array<i32>} : memref<256xf32, #tpu.memory_space<vmem>>, vector<16xf32>,
      tpu.vector_store %arg14[%swap3A_300], %mul3A_299 {strides = array<i32>} : memref<256xf32, #tpu.memory_space<vmem>>, vector<16xf32>,
      %add3A_302 = arith.constant 6 : i32
      %add3A_303 = arith.addi %mul3A_2, %add3A_302 : i32
      %convert_element_type3A_304 = arith.sitofp %add3A_303 : i32 to f32
      %sub3A_305 = vector.broadcast %convert_element_type3A_304 : f32 to vector<16xf32>
      %sub3A_306 = arith.subf %sub3A_305, %gather3A_76 : vector<16xf32>
      %mul3A_307 = arith.mulf %sub3A_306, %sub3A_306 : vector<16xf32>
      %mul3A_308 = arith.mulf %mul3A_307, %div3A_82 : vector<16xf32>
      %exp3A_309 = math.exp %mul3A_308 : vector<16xf32>
      %mul3A_310 = arith.mulf %gather3A_77, %exp3A_309 : vector<16xf32>
      %swap3A_311 = arith.constant 96 : index
      %swap3A_312 = tpu.vector_load %arg14[%swap3A_311] {strides = array<i32>} : memref<256xf32, #tpu.memory_space<vmem>>, vector<16xf32>,
      tpu.vector_store %arg14[%swap3A_311], %mul3A_310 {strides = array<i32>} : memref<256xf32, #tpu.memory_space<vmem>>, vector<16xf32>,
      %add3A_313 = arith.constant 7 : i32
      %add3A_314 = arith.addi %mul3A_2, %add3A_313 : i32
      %convert_element_type3A_315 = arith.sitofp %add3A_314 : i32 to f32
      %sub3A_316 = vector.broadcast %convert_element_type3A_315 : f32 to vector<16xf32>
      %sub3A_317 = arith.subf %sub3A_316, %gather3A_76 : vector<16xf32>
      %mul3A_318 = arith.mulf %sub3A_317, %sub3A_317 : vector<16xf32>
      %mul3A_319 = arith.mulf %mul3A_318, %div3A_82 : vector<16xf32>
      %exp3A_320 = math.exp %mul3A_319 : vector<16xf32>
      %mul3A_321 = arith.mulf %gather3A_77, %exp3A_320 : vector<16xf32>
      %swap3A_322 = arith.constant 112 : index
      %swap3A_323 = tpu.vector_load %arg14[%swap3A_322] {strides = array<i32>} : memref<256xf32, #tpu.memory_space<vmem>>, vector<16xf32>,
      tpu.vector_store %arg14[%swap3A_322], %mul3A_321 {strides = array<i32>} : memref<256xf32, #tpu.memory_space<vmem>>, vector<16xf32>,
      %add3A_324 = arith.constant 8 : i32
      %add3A_325 = arith.addi %mul3A_2, %add3A_324 : i32
      %convert_element_type3A_326 = arith.sitofp %add3A_325 : i32 to f32
      %sub3A_327 = vector.broadcast %convert_element_type3A_326 : f32 to vector<16xf32>
      %sub3A_328 = arith.subf %sub3A_327, %gather3A_76 : vector<16xf32>
      %mul3A_329 = arith.mulf %sub3A_328, %sub3A_328 : vector<16xf32>
      %mul3A_330 = arith.mulf %mul3A_329, %div3A_82 : vector<16xf32>
      %exp3A_331 = math.exp %mul3A_330 : vector<16xf32>
      %mul3A_332 = arith.mulf %gather3A_77, %exp3A_331 : vector<16xf32>
      %swap3A_333 = arith.constant 128 : index
      %swap3A_334 = tpu.vector_load %arg14[%swap3A_333] {strides = array<i32>} : memref<256xf32, #tpu.memory_space<vmem>>, vector<16xf32>,
      tpu.vector_store %arg14[%swap3A_333], %mul3A_332 {strides = array<i32>} : memref<256xf32, #tpu.memory_space<vmem>>, vector<16xf32>,
      %add3A_335 = arith.constant 9 : i32
      %add3A_336 = arith.addi %mul3A_2, %add3A_335 : i32
      %convert_element_type3A_337 = arith.sitofp %add3A_336 : i32 to f32
      %sub3A_338 = vector.broadcast %convert_element_type3A_337 : f32 to vector<16xf32>
      %sub3A_339 = arith.subf %sub3A_338, %gather3A_76 : vector<16xf32>
      %mul3A_340 = arith.mulf %sub3A_339, %sub3A_339 : vector<16xf32>
      %mul3A_341 = arith.mulf %mul3A_340, %div3A_82 : vector<16xf32>
      %exp3A_342 = math.exp %mul3A_341 : vector<16xf32>
      %mul3A_343 = arith.mulf %gather3A_77, %exp3A_342 : vector<16xf32>
      %swap3A_344 = arith.constant 144 : index
      %swap3A_345 = tpu.vector_load %arg14[%swap3A_344] {strides = array<i32>} : memref<256xf32, #tpu.memory_space<vmem>>, vector<16xf32>,
      tpu.vector_store %arg14[%swap3A_344], %mul3A_343 {strides = array<i32>} : memref<256xf32, #tpu.memory_space<vmem>>, vector<16xf32>,
      %add3A_346 = arith.constant 10 : i32
      %add3A_347 = arith.addi %mul3A_2, %add3A_346 : i32
      %convert_element_type3A_348 = arith.sitofp %add3A_347 : i32 to f32
      %sub3A_349 = vector.broadcast %convert_element_type3A_348 : f32 to vector<16xf32>
      %sub3A_350 = arith.subf %sub3A_349, %gather3A_76 : vector<16xf32>
      %mul3A_351 = arith.mulf %sub3A_350, %sub3A_350 : vector<16xf32>
      %mul3A_352 = arith.mulf %mul3A_351, %div3A_82 : vector<16xf32>
      %exp3A_353 = math.exp %mul3A_352 : vector<16xf32>
      %mul3A_354 = arith.mulf %gather3A_77, %exp3A_353 : vector<16xf32>
      %swap3A_355 = arith.constant 160 : index
      %swap3A_356 = tpu.vector_load %arg14[%swap3A_355] {strides = array<i32>} : memref<256xf32, #tpu.memory_space<vmem>>, vector<16xf32>,
      tpu.vector_store %arg14[%swap3A_355], %mul3A_354 {strides = array<i32>} : memref<256xf32, #tpu.memory_space<vmem>>, vector<16xf32>,
      %add3A_357 = arith.constant 11 : i32
      %add3A_358 = arith.addi %mul3A_2, %add3A_357 : i32
      %convert_element_type3A_359 = arith.sitofp %add3A_358 : i32 to f32
      %sub3A_360 = vector.broadcast %convert_element_type3A_359 : f32 to vector<16xf32>
      %sub3A_361 = arith.subf %sub3A_360, %gather3A_76 : vector<16xf32>
      %mul3A_362 = arith.mulf %sub3A_361, %sub3A_361 : vector<16xf32>
      %mul3A_363 = arith.mulf %mul3A_362, %div3A_82 : vector<16xf32>
      %exp3A_364 = math.exp %mul3A_363 : vector<16xf32>
      %mul3A_365 = arith.mulf %gather3A_77, %exp3A_364 : vector<16xf32>
      %swap3A_366 = arith.constant 176 : index
      %swap3A_367 = tpu.vector_load %arg14[%swap3A_366] {strides = array<i32>} : memref<256xf32, #tpu.memory_space<vmem>>, vector<16xf32>,
      tpu.vector_store %arg14[%swap3A_366], %mul3A_365 {strides = array<i32>} : memref<256xf32, #tpu.memory_space<vmem>>, vector<16xf32>,
      %add3A_368 = arith.constant 12 : i32
      %add3A_369 = arith.addi %mul3A_2, %add3A_368 : i32
      %convert_element_type3A_370 = arith.sitofp %add3A_369 : i32 to f32
      %sub3A_371 = vector.broadcast %convert_element_type3A_370 : f32 to vector<16xf32>
      %sub3A_372 = arith.subf %sub3A_371, %gather3A_76 : vector<16xf32>
      %mul3A_373 = arith.mulf %sub3A_372, %sub3A_372 : vector<16xf32>
      %mul3A_374 = arith.mulf %mul3A_373, %div3A_82 : vector<16xf32>
      %exp3A_375 = math.exp %mul3A_374 : vector<16xf32>
      %mul3A_376 = arith.mulf %gather3A_77, %exp3A_375 : vector<16xf32>
      %swap3A_377 = arith.constant 192 : index
      %swap3A_378 = tpu.vector_load %arg14[%swap3A_377] {strides = array<i32>} : memref<256xf32, #tpu.memory_space<vmem>>, vector<16xf32>,
      tpu.vector_store %arg14[%swap3A_377], %mul3A_376 {strides = array<i32>} : memref<256xf32, #tpu.memory_space<vmem>>, vector<16xf32>,
      %add3A_379 = arith.constant 13 : i32
      %add3A_380 = arith.addi %mul3A_2, %add3A_379 : i32
      %convert_element_type3A_381 = arith.sitofp %add3A_380 : i32 to f32
      %sub3A_382 = vector.broadcast %convert_element_type3A_381 : f32 to vector<16xf32>
      %sub3A_383 = arith.subf %sub3A_382, %gather3A_76 : vector<16xf32>
      %mul3A_384 = arith.mulf %sub3A_383, %sub3A_383 : vector<16xf32>
      %mul3A_385 = arith.mulf %mul3A_384, %div3A_82 : vector<16xf32>
      %exp3A_386 = math.exp %mul3A_385 : vector<16xf32>
      %mul3A_387 = arith.mulf %gather3A_77, %exp3A_386 : vector<16xf32>
      %swap3A_388 = arith.constant 208 : index
      %swap3A_389 = tpu.vector_load %arg14[%swap3A_388] {strides = array<i32>} : memref<256xf32, #tpu.memory_space<vmem>>, vector<16xf32>,
      tpu.vector_store %arg14[%swap3A_388], %mul3A_387 {strides = array<i32>} : memref<256xf32, #tpu.memory_space<vmem>>, vector<16xf32>,
      %add3A_390 = arith.constant 14 : i32
      %add3A_391 = arith.addi %mul3A_2, %add3A_390 : i32
      %convert_element_type3A_392 = arith.sitofp %add3A_391 : i32 to f32
      %sub3A_393 = vector.broadcast %convert_element_type3A_392 : f32 to vector<16xf32>
      %sub3A_394 = arith.subf %sub3A_393, %gather3A_76 : vector<16xf32>
      %mul3A_395 = arith.mulf %sub3A_394, %sub3A_394 : vector<16xf32>
      %mul3A_396 = arith.mulf %mul3A_395, %div3A_82 : vector<16xf32>
      %exp3A_397 = math.exp %mul3A_396 : vector<16xf32>
      %mul3A_398 = arith.mulf %gather3A_77, %exp3A_397 : vector<16xf32>
      %swap3A_399 = arith.constant 224 : index
      %swap3A_400 = tpu.vector_load %arg14[%swap3A_399] {strides = array<i32>} : memref<256xf32, #tpu.memory_space<vmem>>, vector<16xf32>,
      tpu.vector_store %arg14[%swap3A_399], %mul3A_398 {strides = array<i32>} : memref<256xf32, #tpu.memory_space<vmem>>, vector<16xf32>,
      %add3A_401 = arith.constant 15 : i32
      %add3A_402 = arith.addi %mul3A_2, %add3A_401 : i32
      %convert_element_type3A_403 = arith.sitofp %add3A_402 : i32 to f32
      %sub3A_404 = vector.broadcast %convert_element_type3A_403 : f32 to vector<16xf32>
      %sub3A_405 = arith.subf %sub3A_404, %gather3A_76 : vector<16xf32>
      %mul3A_406 = arith.mulf %sub3A_405, %sub3A_405 : vector<16xf32>
      %mul3A_407 = arith.mulf %mul3A_406, %div3A_82 : vector<16xf32>
      %exp3A_408 = math.exp %mul3A_407 : vector<16xf32>
      %mul3A_409 = arith.mulf %gather3A_77, %exp3A_408 : vector<16xf32>
      %swap3A_410 = arith.constant 240 : index
      %swap3A_411 = tpu.vector_load %arg14[%swap3A_410] {strides = array<i32>} : memref<256xf32, #tpu.memory_space<vmem>>, vector<16xf32>,
      tpu.vector_store %arg14[%swap3A_410], %mul3A_409 {strides = array<i32>} : memref<256xf32, #tpu.memory_space<vmem>>, vector<16xf32>,
      %scan3A_412 = arith.constant 0 : i32
      %scan3A_413 = arith.constant 0 : i32
      %scan3A_414 = arith.constant 16 : i32
      %scan3A_415 = arith.addi %scan3A_413, %scan3A_414 : i32
      %scan3A_416 = arith.constant 1 : i32
      %scan3A_417 = scf.for %scan3A_420 = %scan3A_413 to %scan3A_415 step %scan3A_416 iter_args(%scan3A_421 = %scan3A_412) -> (i32)  : i32 {
        %add3A_422 = vector.broadcast %scan3A_420 : i32 to vector<16xi32>
        %add3A_423 = arith.addi %iota3A, %add3A_422 : vector<16xi32>
        %and3A_424 = arith.constant 15 : i32
        %and3A_425 = vector.broadcast %and3A_424 : i32 to vector<16xi32>
        %and3A_426 = arith.andi %add3A_423, %and3A_425 : vector<16xi32>
        %mul3A_427 = arith.constant 16 : i32
        %mul3A_428 = vector.broadcast %mul3A_427 : i32 to vector<16xi32>
        %mul3A_429 = arith.muli %and3A_426, %mul3A_428 : vector<16xi32>
        %add3A_430 = arith.addi %mul3A_429, %iota3A : vector<16xi32>
        %gather3A_431 = tpu.vector_load_idx %arg14[%add3A_430] : memref<256xf32, #tpu.memory_space<vmem>>[vector<16xi32>], vector<16xf32>,
        %mul3A_432 = arith.constant 544 : i32
        %mul3A_433 = vector.broadcast %mul3A_432 : i32 to vector<16xi32>
        %mul3A_434 = arith.muli %and3A_426, %mul3A_433 : vector<16xi32>
        %add3A_435 = arith.addi %mul3A_434, %add3A_87 : vector<16xi32>
        %add3A_436 = arith.constant 0 : i32
        %add3A_437 = vector.broadcast %add3A_436 : i32 to vector<16xi32>
        %add3A_438 = arith.addi %add3A_435, %add3A_437 : vector<16xi32>
        %mul3A_439 = arith.mulf %gather3A_431, %exp3A : vector<16xf32>
        tpu.vector_store_idx %arg15[%add3A_438], %mul3A_439 {add = true} : memref<8704xf32, #tpu.memory_space<vmem>>[vector<16xi32>], vector<16xf32>,
        %add3A_440 = arith.constant 1 : i32
        %add3A_441 = vector.broadcast %add3A_440 : i32 to vector<16xi32>
        %add3A_442 = arith.addi %add3A_435, %add3A_441 : vector<16xi32>
        %mul3A_443 = arith.mulf %gather3A_431, %exp3A_98 : vector<16xf32>
        tpu.vector_store_idx %arg15[%add3A_442], %mul3A_443 {add = true} : memref<8704xf32, #tpu.memory_space<vmem>>[vector<16xi32>], vector<16xf32>,
        %add3A_444 = arith.constant 2 : i32
        %add3A_445 = vector.broadcast %add3A_444 : i32 to vector<16xi32>
        %add3A_446 = arith.addi %add3A_435, %add3A_445 : vector<16xi32>
        %mul3A_447 = arith.mulf %gather3A_431, %exp3A_104 : vector<16xf32>
        tpu.vector_store_idx %arg15[%add3A_446], %mul3A_447 {add = true} : memref<8704xf32, #tpu.memory_space<vmem>>[vector<16xi32>], vector<16xf32>,
        %add3A_448 = arith.constant 3 : i32
        %add3A_449 = vector.broadcast %add3A_448 : i32 to vector<16xi32>
        %add3A_450 = arith.addi %add3A_435, %add3A_449 : vector<16xi32>
        %mul3A_451 = arith.mulf %gather3A_431, %exp3A_110 : vector<16xf32>
        tpu.vector_store_idx %arg15[%add3A_450], %mul3A_451 {add = true} : memref<8704xf32, #tpu.memory_space<vmem>>[vector<16xi32>], vector<16xf32>,
        %add3A_452 = arith.constant 4 : i32
        %add3A_453 = vector.broadcast %add3A_452 : i32 to vector<16xi32>
        %add3A_454 = arith.addi %add3A_435, %add3A_453 : vector<16xi32>
        %mul3A_455 = arith.mulf %gather3A_431, %exp3A_116 : vector<16xf32>
        tpu.vector_store_idx %arg15[%add3A_454], %mul3A_455 {add = true} : memref<8704xf32, #tpu.memory_space<vmem>>[vector<16xi32>], vector<16xf32>,
        %add3A_456 = arith.constant 5 : i32
        %add3A_457 = vector.broadcast %add3A_456 : i32 to vector<16xi32>
        %add3A_458 = arith.addi %add3A_435, %add3A_457 : vector<16xi32>
        %mul3A_459 = arith.mulf %gather3A_431, %exp3A_122 : vector<16xf32>
        tpu.vector_store_idx %arg15[%add3A_458], %mul3A_459 {add = true} : memref<8704xf32, #tpu.memory_space<vmem>>[vector<16xi32>], vector<16xf32>,
        %add3A_460 = arith.constant 6 : i32
        %add3A_461 = vector.broadcast %add3A_460 : i32 to vector<16xi32>
        %add3A_462 = arith.addi %add3A_435, %add3A_461 : vector<16xi32>
        %mul3A_463 = arith.mulf %gather3A_431, %exp3A_128 : vector<16xf32>
        tpu.vector_store_idx %arg15[%add3A_462], %mul3A_463 {add = true} : memref<8704xf32, #tpu.memory_space<vmem>>[vector<16xi32>], vector<16xf32>,
        %add3A_464 = arith.constant 7 : i32
        %add3A_465 = vector.broadcast %add3A_464 : i32 to vector<16xi32>
        %add3A_466 = arith.addi %add3A_435, %add3A_465 : vector<16xi32>
        %mul3A_467 = arith.mulf %gather3A_431, %exp3A_134 : vector<16xf32>
        tpu.vector_store_idx %arg15[%add3A_466], %mul3A_467 {add = true} : memref<8704xf32, #tpu.memory_space<vmem>>[vector<16xi32>], vector<16xf32>,
        %add3A_468 = arith.constant 8 : i32
        %add3A_469 = vector.broadcast %add3A_468 : i32 to vector<16xi32>
        %add3A_470 = arith.addi %add3A_435, %add3A_469 : vector<16xi32>
        %mul3A_471 = arith.mulf %gather3A_431, %exp3A_140 : vector<16xf32>
        tpu.vector_store_idx %arg15[%add3A_470], %mul3A_471 {add = true} : memref<8704xf32, #tpu.memory_space<vmem>>[vector<16xi32>], vector<16xf32>,
        %add3A_472 = arith.constant 9 : i32
        %add3A_473 = vector.broadcast %add3A_472 : i32 to vector<16xi32>
        %add3A_474 = arith.addi %add3A_435, %add3A_473 : vector<16xi32>
        %mul3A_475 = arith.mulf %gather3A_431, %exp3A_146 : vector<16xf32>
        tpu.vector_store_idx %arg15[%add3A_474], %mul3A_475 {add = true} : memref<8704xf32, #tpu.memory_space<vmem>>[vector<16xi32>], vector<16xf32>,
        %add3A_476 = arith.constant 10 : i32
        %add3A_477 = vector.broadcast %add3A_476 : i32 to vector<16xi32>
        %add3A_478 = arith.addi %add3A_435, %add3A_477 : vector<16xi32>
        %mul3A_479 = arith.mulf %gather3A_431, %exp3A_152 : vector<16xf32>
        tpu.vector_store_idx %arg15[%add3A_478], %mul3A_479 {add = true} : memref<8704xf32, #tpu.memory_space<vmem>>[vector<16xi32>], vector<16xf32>,
        %add3A_480 = arith.constant 11 : i32
        %add3A_481 = vector.broadcast %add3A_480 : i32 to vector<16xi32>
        %add3A_482 = arith.addi %add3A_435, %add3A_481 : vector<16xi32>
        %mul3A_483 = arith.mulf %gather3A_431, %exp3A_158 : vector<16xf32>
        tpu.vector_store_idx %arg15[%add3A_482], %mul3A_483 {add = true} : memref<8704xf32, #tpu.memory_space<vmem>>[vector<16xi32>], vector<16xf32>,
        %add3A_484 = arith.constant 12 : i32
        %add3A_485 = vector.broadcast %add3A_484 : i32 to vector<16xi32>
        %add3A_486 = arith.addi %add3A_435, %add3A_485 : vector<16xi32>
        %mul3A_487 = arith.mulf %gather3A_431, %exp3A_164 : vector<16xf32>
        tpu.vector_store_idx %arg15[%add3A_486], %mul3A_487 {add = true} : memref<8704xf32, #tpu.memory_space<vmem>>[vector<16xi32>], vector<16xf32>,
        %add3A_488 = arith.constant 13 : i32
        %add3A_489 = vector.broadcast %add3A_488 : i32 to vector<16xi32>
        %add3A_490 = arith.addi %add3A_435, %add3A_489 : vector<16xi32>
        %mul3A_491 = arith.mulf %gather3A_431, %exp3A_170 : vector<16xf32>
        tpu.vector_store_idx %arg15[%add3A_490], %mul3A_491 {add = true} : memref<8704xf32, #tpu.memory_space<vmem>>[vector<16xi32>], vector<16xf32>,
        %add3A_492 = arith.constant 14 : i32
        %add3A_493 = vector.broadcast %add3A_492 : i32 to vector<16xi32>
        %add3A_494 = arith.addi %add3A_435, %add3A_493 : vector<16xi32>
        %mul3A_495 = arith.mulf %gather3A_431, %exp3A_176 : vector<16xf32>
        tpu.vector_store_idx %arg15[%add3A_494], %mul3A_495 {add = true} : memref<8704xf32, #tpu.memory_space<vmem>>[vector<16xi32>], vector<16xf32>,
        %add3A_496 = arith.constant 15 : i32
        %add3A_497 = vector.broadcast %add3A_496 : i32 to vector<16xi32>
        %add3A_498 = arith.addi %add3A_435, %add3A_497 : vector<16xi32>
        %mul3A_499 = arith.mulf %gather3A_431, %exp3A_182 : vector<16xf32>
        tpu.vector_store_idx %arg15[%add3A_498], %mul3A_499 {add = true} : memref<8704xf32, #tpu.memory_space<vmem>>[vector<16xi32>], vector<16xf32>,
        %add3A_500 = arith.constant 16 : i32
        %add3A_501 = vector.broadcast %add3A_500 : i32 to vector<16xi32>
        %add3A_502 = arith.addi %add3A_435, %add3A_501 : vector<16xi32>
        %mul3A_503 = arith.mulf %gather3A_431, %exp3A_188 : vector<16xf32>
        tpu.vector_store_idx %arg15[%add3A_502], %mul3A_503 {add = true} : memref<8704xf32, #tpu.memory_space<vmem>>[vector<16xi32>], vector<16xf32>,
        %add3A_504 = arith.constant 17 : i32
        %add3A_505 = vector.broadcast %add3A_504 : i32 to vector<16xi32>
        %add3A_506 = arith.addi %add3A_435, %add3A_505 : vector<16xi32>
        %mul3A_507 = arith.mulf %gather3A_431, %exp3A_194 : vector<16xf32>
        tpu.vector_store_idx %arg15[%add3A_506], %mul3A_507 {add = true} : memref<8704xf32, #tpu.memory_space<vmem>>[vector<16xi32>], vector<16xf32>,
        %add3A_508 = arith.constant 18 : i32
        %add3A_509 = vector.broadcast %add3A_508 : i32 to vector<16xi32>
        %add3A_510 = arith.addi %add3A_435, %add3A_509 : vector<16xi32>
        %mul3A_511 = arith.mulf %gather3A_431, %exp3A_200 : vector<16xf32>
        tpu.vector_store_idx %arg15[%add3A_510], %mul3A_511 {add = true} : memref<8704xf32, #tpu.memory_space<vmem>>[vector<16xi32>], vector<16xf32>,
        %add3A_512 = arith.constant 19 : i32
        %add3A_513 = vector.broadcast %add3A_512 : i32 to vector<16xi32>
        %add3A_514 = arith.addi %add3A_435, %add3A_513 : vector<16xi32>
        %mul3A_515 = arith.mulf %gather3A_431, %exp3A_206 : vector<16xf32>
        tpu.vector_store_idx %arg15[%add3A_514], %mul3A_515 {add = true} : memref<8704xf32, #tpu.memory_space<vmem>>[vector<16xi32>], vector<16xf32>,
        %add3A_516 = arith.constant 20 : i32
        %add3A_517 = vector.broadcast %add3A_516 : i32 to vector<16xi32>
        %add3A_518 = arith.addi %add3A_435, %add3A_517 : vector<16xi32>
        %mul3A_519 = arith.mulf %gather3A_431, %exp3A_212 : vector<16xf32>
        tpu.vector_store_idx %arg15[%add3A_518], %mul3A_519 {add = true} : memref<8704xf32, #tpu.memory_space<vmem>>[vector<16xi32>], vector<16xf32>,
        %add3A_520 = arith.constant 21 : i32
        %add3A_521 = vector.broadcast %add3A_520 : i32 to vector<16xi32>
        %add3A_522 = arith.addi %add3A_435, %add3A_521 : vector<16xi32>
        %mul3A_523 = arith.mulf %gather3A_431, %exp3A_218 : vector<16xf32>
        tpu.vector_store_idx %arg15[%add3A_522], %mul3A_523 {add = true} : memref<8704xf32, #tpu.memory_space<vmem>>[vector<16xi32>], vector<16xf32>,
        %add3A_524 = arith.constant 22 : i32
        %add3A_525 = vector.broadcast %add3A_524 : i32 to vector<16xi32>
        %add3A_526 = arith.addi %add3A_435, %add3A_525 : vector<16xi32>
        %mul3A_527 = arith.mulf %gather3A_431, %exp3A_224 : vector<16xf32>
        tpu.vector_store_idx %arg15[%add3A_526], %mul3A_527 {add = true} : memref<8704xf32, #tpu.memory_space<vmem>>[vector<16xi32>], vector<16xf32>,
        %add3A_528 = arith.constant 23 : i32
        %add3A_529 = vector.broadcast %add3A_528 : i32 to vector<16xi32>
        %add3A_530 = arith.addi %add3A_435, %add3A_529 : vector<16xi32>
        %mul3A_531 = arith.mulf %gather3A_431, %exp3A_230 : vector<16xf32>
        tpu.vector_store_idx %arg15[%add3A_530], %mul3A_531 {add = true} : memref<8704xf32, #tpu.memory_space<vmem>>[vector<16xi32>], vector<16xf32>,
        %add3A_532 = arith.constant 24 : i32
        %add3A_533 = vector.broadcast %add3A_532 : i32 to vector<16xi32>
        %add3A_534 = arith.addi %add3A_435, %add3A_533 : vector<16xi32>
        %mul3A_535 = arith.mulf %gather3A_431, %exp3A_236 : vector<16xf32>
        tpu.vector_store_idx %arg15[%add3A_534], %mul3A_535 {add = true} : memref<8704xf32, #tpu.memory_space<vmem>>[vector<16xi32>], vector<16xf32>,
        %scan3A_536 = arith.constant 0 : i32
        scf.yield %scan3A_536 : i32
      }
      %scan3A_418 = arith.constant 16 : i32
      %while3A_419 = arith.constant 0 : i32
      scf.yield %while3A_419 : i32
    }
    %while3A_61 = arith.constant 1 : i32
    %while3A_62 = scf.for %while3A_70 = %while3A_58 to %while3A_54 step %while3A_61 iter_args(%while3A_71 = %while3A_60) -> (i32)  : i32 {
      %mul3A_72 = arith.constant 16 : i32
      %mul3A_73 = arith.muli %while3A_70, %mul3A_72 : i32
      %get3A_74 = arith.index_cast %mul3A_73 : i32 to index
      %get3A_75 = tpu.vector_load %arg13[%get3A_74] {strides = array<i32>} : memref<1840xi32, #tpu.memory_space<vmem>>, vector<16xi32>,
      %gather3A = tpu.vector_load_idx %arg8[%get3A_75] : memref<1824xf32, #tpu.memory_space<vmem>>[vector<16xi32>], vector<16xf32>,
      %gather3A_76 = tpu.vector_load_idx %arg9[%get3A_75] : memref<1824xf32, #tpu.memory_space<vmem>>[vector<16xi32>], vector<16xf32>,
      %gather3A_77 = tpu.vector_load_idx %arg10[%get3A_75] : memref<1824xf32, #tpu.memory_space<vmem>>[vector<16xi32>], vector<16xf32>,
      %gather3A_78 = tpu.vector_load_idx %arg11[%get3A_75] : memref<1824xf32, #tpu.memory_space<vmem>>[vector<16xi32>], vector<16xf32>,
      %mul3A_79 = arith.mulf %gather3A_78, %gather3A_78 : vector<16xf32>
      %div3A_80 = arith.constant -5.000000e-01 : f32
      %div3A_81 = vector.broadcast %div3A_80 : f32 to vector<16xf32>
      %div3A_82 = arith.divf %div3A_81, %mul3A_79 : vector<16xf32>
      %convert_element_type3A = arith.fptosi %gather3A : vector<16xf32> to vector<16xi32>
      %convert_element_type3A_83 = arith.sitofp %convert_element_type3A : vector<16xi32> to vector<16xf32>
      %sub3A_84 = arith.subf %gather3A, %convert_element_type3A_83 : vector<16xf32>
      %add3A_85 = arith.constant 4 : i32
      %add3A_86 = vector.broadcast %add3A_85 : i32 to vector<16xi32>
      %add3A_87 = arith.addi %convert_element_type3A, %add3A_86 : vector<16xi32>
      %sub3A_88 = arith.constant -1.200000e+01 : f32
      %sub3A_89 = vector.broadcast %sub3A_88 : f32 to vector<16xf32>
      %sub3A_90 = arith.subf %sub3A_89, %sub3A_84 : vector<16xf32>
      %mul3A_91 = arith.mulf %sub3A_90, %sub3A_90 : vector<16xf32>
      %mul3A_92 = arith.mulf %mul3A_91, %div3A_82 : vector<16xf32>
      %exp3A = math.exp %mul3A_92 : vector<16xf32>
      %sub3A_93 = arith.constant -1.100000e+01 : f32
      %sub3A_94 = vector.broadcast %sub3A_93 : f32 to vector<16xf32>
      %sub3A_95 = arith.subf %sub3A_94, %sub3A_84 : vector<16xf32>
      %mul3A_96 = arith.mulf %sub3A_95, %sub3A_95 : vector<16xf32>
      %mul3A_97 = arith.mulf %mul3A_96, %div3A_82 : vector<16xf32>
      %exp3A_98 = math.exp %mul3A_97 : vector<16xf32>
      %sub3A_99 = arith.constant -1.000000e+01 : f32
      %sub3A_100 = vector.broadcast %sub3A_99 : f32 to vector<16xf32>
      %sub3A_101 = arith.subf %sub3A_100, %sub3A_84 : vector<16xf32>
      %mul3A_102 = arith.mulf %sub3A_101, %sub3A_101 : vector<16xf32>
      %mul3A_103 = arith.mulf %mul3A_102, %div3A_82 : vector<16xf32>
      %exp3A_104 = math.exp %mul3A_103 : vector<16xf32>
      %sub3A_105 = arith.constant -9.000000e+00 : f32
      %sub3A_106 = vector.broadcast %sub3A_105 : f32 to vector<16xf32>
      %sub3A_107 = arith.subf %sub3A_106, %sub3A_84 : vector<16xf32>
      %mul3A_108 = arith.mulf %sub3A_107, %sub3A_107 : vector<16xf32>
      %mul3A_109 = arith.mulf %mul3A_108, %div3A_82 : vector<16xf32>
      %exp3A_110 = math.exp %mul3A_109 : vector<16xf32>
      %sub3A_111 = arith.constant -8.000000e+00 : f32
      %sub3A_112 = vector.broadcast %sub3A_111 : f32 to vector<16xf32>
      %sub3A_113 = arith.subf %sub3A_112, %sub3A_84 : vector<16xf32>
      %mul3A_114 = arith.mulf %sub3A_113, %sub3A_113 : vector<16xf32>
      %mul3A_115 = arith.mulf %mul3A_114, %div3A_82 : vector<16xf32>
      %exp3A_116 = math.exp %mul3A_115 : vector<16xf32>
      %sub3A_117 = arith.constant -7.000000e+00 : f32
      %sub3A_118 = vector.broadcast %sub3A_117 : f32 to vector<16xf32>
      %sub3A_119 = arith.subf %sub3A_118, %sub3A_84 : vector<16xf32>
      %mul3A_120 = arith.mulf %sub3A_119, %sub3A_119 : vector<16xf32>
      %mul3A_121 = arith.mulf %mul3A_120, %div3A_82 : vector<16xf32>
      %exp3A_122 = math.exp %mul3A_121 : vector<16xf32>
      %sub3A_123 = arith.constant -6.000000e+00 : f32
      %sub3A_124 = vector.broadcast %sub3A_123 : f32 to vector<16xf32>
      %sub3A_125 = arith.subf %sub3A_124, %sub3A_84 : vector<16xf32>
      %mul3A_126 = arith.mulf %sub3A_125, %sub3A_125 : vector<16xf32>
      %mul3A_127 = arith.mulf %mul3A_126, %div3A_82 : vector<16xf32>
      %exp3A_128 = math.exp %mul3A_127 : vector<16xf32>
      %sub3A_129 = arith.constant -5.000000e+00 : f32
      %sub3A_130 = vector.broadcast %sub3A_129 : f32 to vector<16xf32>
      %sub3A_131 = arith.subf %sub3A_130, %sub3A_84 : vector<16xf32>
      %mul3A_132 = arith.mulf %sub3A_131, %sub3A_131 : vector<16xf32>
      %mul3A_133 = arith.mulf %mul3A_132, %div3A_82 : vector<16xf32>
      %exp3A_134 = math.exp %mul3A_133 : vector<16xf32>
      %sub3A_135 = arith.constant -4.000000e+00 : f32
      %sub3A_136 = vector.broadcast %sub3A_135 : f32 to vector<16xf32>
      %sub3A_137 = arith.subf %sub3A_136, %sub3A_84 : vector<16xf32>
      %mul3A_138 = arith.mulf %sub3A_137, %sub3A_137 : vector<16xf32>
      %mul3A_139 = arith.mulf %mul3A_138, %div3A_82 : vector<16xf32>
      %exp3A_140 = math.exp %mul3A_139 : vector<16xf32>
      %sub3A_141 = arith.constant -3.000000e+00 : f32
      %sub3A_142 = vector.broadcast %sub3A_141 : f32 to vector<16xf32>
      %sub3A_143 = arith.subf %sub3A_142, %sub3A_84 : vector<16xf32>
      %mul3A_144 = arith.mulf %sub3A_143, %sub3A_143 : vector<16xf32>
      %mul3A_145 = arith.mulf %mul3A_144, %div3A_82 : vector<16xf32>
      %exp3A_146 = math.exp %mul3A_145 : vector<16xf32>
      %sub3A_147 = arith.constant -2.000000e+00 : f32
      %sub3A_148 = vector.broadcast %sub3A_147 : f32 to vector<16xf32>
      %sub3A_149 = arith.subf %sub3A_148, %sub3A_84 : vector<16xf32>
      %mul3A_150 = arith.mulf %sub3A_149, %sub3A_149 : vector<16xf32>
      %mul3A_151 = arith.mulf %mul3A_150, %div3A_82 : vector<16xf32>
      %exp3A_152 = math.exp %mul3A_151 : vector<16xf32>
      %sub3A_153 = arith.constant -1.000000e+00 : f32
      %sub3A_154 = vector.broadcast %sub3A_153 : f32 to vector<16xf32>
      %sub3A_155 = arith.subf %sub3A_154, %sub3A_84 : vector<16xf32>
      %mul3A_156 = arith.mulf %sub3A_155, %sub3A_155 : vector<16xf32>
      %mul3A_157 = arith.mulf %mul3A_156, %div3A_82 : vector<16xf32>
      %exp3A_158 = math.exp %mul3A_157 : vector<16xf32>
      %sub3A_159 = arith.constant 0.000000e+00 : f32
      %sub3A_160 = vector.broadcast %sub3A_159 : f32 to vector<16xf32>
      %sub3A_161 = arith.subf %sub3A_160, %sub3A_84 : vector<16xf32>
      %mul3A_162 = arith.mulf %sub3A_161, %sub3A_161 : vector<16xf32>
      %mul3A_163 = arith.mulf %mul3A_162, %div3A_82 : vector<16xf32>
      %exp3A_164 = math.exp %mul3A_163 : vector<16xf32>
      %sub3A_165 = arith.constant 1.000000e+00 : f32
      %sub3A_166 = vector.broadcast %sub3A_165 : f32 to vector<16xf32>
      %sub3A_167 = arith.subf %sub3A_166, %sub3A_84 : vector<16xf32>
      %mul3A_168 = arith.mulf %sub3A_167, %sub3A_167 : vector<16xf32>
      %mul3A_169 = arith.mulf %mul3A_168, %div3A_82 : vector<16xf32>
      %exp3A_170 = math.exp %mul3A_169 : vector<16xf32>
      %sub3A_171 = arith.constant 2.000000e+00 : f32
      %sub3A_172 = vector.broadcast %sub3A_171 : f32 to vector<16xf32>
      %sub3A_173 = arith.subf %sub3A_172, %sub3A_84 : vector<16xf32>
      %mul3A_174 = arith.mulf %sub3A_173, %sub3A_173 : vector<16xf32>
      %mul3A_175 = arith.mulf %mul3A_174, %div3A_82 : vector<16xf32>
      %exp3A_176 = math.exp %mul3A_175 : vector<16xf32>
      %sub3A_177 = arith.constant 3.000000e+00 : f32
      %sub3A_178 = vector.broadcast %sub3A_177 : f32 to vector<16xf32>
      %sub3A_179 = arith.subf %sub3A_178, %sub3A_84 : vector<16xf32>
      %mul3A_180 = arith.mulf %sub3A_179, %sub3A_179 : vector<16xf32>
      %mul3A_181 = arith.mulf %mul3A_180, %div3A_82 : vector<16xf32>
      %exp3A_182 = math.exp %mul3A_181 : vector<16xf32>
      %sub3A_183 = arith.constant 4.000000e+00 : f32
      %sub3A_184 = vector.broadcast %sub3A_183 : f32 to vector<16xf32>
      %sub3A_185 = arith.subf %sub3A_184, %sub3A_84 : vector<16xf32>
      %mul3A_186 = arith.mulf %sub3A_185, %sub3A_185 : vector<16xf32>
      %mul3A_187 = arith.mulf %mul3A_186, %div3A_82 : vector<16xf32>
      %exp3A_188 = math.exp %mul3A_187 : vector<16xf32>
      %sub3A_189 = arith.constant 5.000000e+00 : f32
      %sub3A_190 = vector.broadcast %sub3A_189 : f32 to vector<16xf32>
      %sub3A_191 = arith.subf %sub3A_190, %sub3A_84 : vector<16xf32>
      %mul3A_192 = arith.mulf %sub3A_191, %sub3A_191 : vector<16xf32>
      %mul3A_193 = arith.mulf %mul3A_192, %div3A_82 : vector<16xf32>
      %exp3A_194 = math.exp %mul3A_193 : vector<16xf32>
      %sub3A_195 = arith.constant 6.000000e+00 : f32
      %sub3A_196 = vector.broadcast %sub3A_195 : f32 to vector<16xf32>
      %sub3A_197 = arith.subf %sub3A_196, %sub3A_84 : vector<16xf32>
      %mul3A_198 = arith.mulf %sub3A_197, %sub3A_197 : vector<16xf32>
      %mul3A_199 = arith.mulf %mul3A_198, %div3A_82 : vector<16xf32>
      %exp3A_200 = math.exp %mul3A_199 : vector<16xf32>
      %sub3A_201 = arith.constant 7.000000e+00 : f32
      %sub3A_202 = vector.broadcast %sub3A_201 : f32 to vector<16xf32>
      %sub3A_203 = arith.subf %sub3A_202, %sub3A_84 : vector<16xf32>
      %mul3A_204 = arith.mulf %sub3A_203, %sub3A_203 : vector<16xf32>
      %mul3A_205 = arith.mulf %mul3A_204, %div3A_82 : vector<16xf32>
      %exp3A_206 = math.exp %mul3A_205 : vector<16xf32>
      %sub3A_207 = arith.constant 8.000000e+00 : f32
      %sub3A_208 = vector.broadcast %sub3A_207 : f32 to vector<16xf32>
      %sub3A_209 = arith.subf %sub3A_208, %sub3A_84 : vector<16xf32>
      %mul3A_210 = arith.mulf %sub3A_209, %sub3A_209 : vector<16xf32>
      %mul3A_211 = arith.mulf %mul3A_210, %div3A_82 : vector<16xf32>
      %exp3A_212 = math.exp %mul3A_211 : vector<16xf32>
      %sub3A_213 = arith.constant 9.000000e+00 : f32
      %sub3A_214 = vector.broadcast %sub3A_213 : f32 to vector<16xf32>
      %sub3A_215 = arith.subf %sub3A_214, %sub3A_84 : vector<16xf32>
      %mul3A_216 = arith.mulf %sub3A_215, %sub3A_215 : vector<16xf32>
      %mul3A_217 = arith.mulf %mul3A_216, %div3A_82 : vector<16xf32>
      %exp3A_218 = math.exp %mul3A_217 : vector<16xf32>
      %sub3A_219 = arith.constant 1.000000e+01 : f32
      %sub3A_220 = vector.broadcast %sub3A_219 : f32 to vector<16xf32>
      %sub3A_221 = arith.subf %sub3A_220, %sub3A_84 : vector<16xf32>
      %mul3A_222 = arith.mulf %sub3A_221, %sub3A_221 : vector<16xf32>
      %mul3A_223 = arith.mulf %mul3A_222, %div3A_82 : vector<16xf32>
      %exp3A_224 = math.exp %mul3A_223 : vector<16xf32>
      %sub3A_225 = arith.constant 1.100000e+01 : f32
      %sub3A_226 = vector.broadcast %sub3A_225 : f32 to vector<16xf32>
      %sub3A_227 = arith.subf %sub3A_226, %sub3A_84 : vector<16xf32>
      %mul3A_228 = arith.mulf %sub3A_227, %sub3A_227 : vector<16xf32>
      %mul3A_229 = arith.mulf %mul3A_228, %div3A_82 : vector<16xf32>
      %exp3A_230 = math.exp %mul3A_229 : vector<16xf32>
      %sub3A_231 = arith.constant 1.200000e+01 : f32
      %sub3A_232 = vector.broadcast %sub3A_231 : f32 to vector<16xf32>
      %sub3A_233 = arith.subf %sub3A_232, %sub3A_84 : vector<16xf32>
      %mul3A_234 = arith.mulf %sub3A_233, %sub3A_233 : vector<16xf32>
      %mul3A_235 = arith.mulf %mul3A_234, %div3A_82 : vector<16xf32>
      %exp3A_236 = math.exp %mul3A_235 : vector<16xf32>
      %add3A_237 = arith.constant 0 : i32
      %add3A_238 = arith.addi %mul3A_2, %add3A_237 : i32
      %convert_element_type3A_239 = arith.sitofp %add3A_238 : i32 to f32
      %sub3A_240 = vector.broadcast %convert_element_type3A_239 : f32 to vector<16xf32>
      %sub3A_241 = arith.subf %sub3A_240, %gather3A_76 : vector<16xf32>
      %mul3A_242 = arith.mulf %sub3A_241, %sub3A_241 : vector<16xf32>
      %mul3A_243 = arith.mulf %mul3A_242, %div3A_82 : vector<16xf32>
      %exp3A_244 = math.exp %mul3A_243 : vector<16xf32>
      %mul3A_245 = arith.mulf %gather3A_77, %exp3A_244 : vector<16xf32>
      %swap3A = arith.constant 0 : index
      %swap3A_246 = tpu.vector_load %arg14[%swap3A] {strides = array<i32>} : memref<256xf32, #tpu.memory_space<vmem>>, vector<16xf32>,
      tpu.vector_store %arg14[%swap3A], %mul3A_245 {strides = array<i32>} : memref<256xf32, #tpu.memory_space<vmem>>, vector<16xf32>,
      %add3A_247 = arith.constant 1 : i32
      %add3A_248 = arith.addi %mul3A_2, %add3A_247 : i32
      %convert_element_type3A_249 = arith.sitofp %add3A_248 : i32 to f32
      %sub3A_250 = vector.broadcast %convert_element_type3A_249 : f32 to vector<16xf32>
      %sub3A_251 = arith.subf %sub3A_250, %gather3A_76 : vector<16xf32>
      %mul3A_252 = arith.mulf %sub3A_251, %sub3A_251 : vector<16xf32>
      %mul3A_253 = arith.mulf %mul3A_252, %div3A_82 : vector<16xf32>
      %exp3A_254 = math.exp %mul3A_253 : vector<16xf32>
      %mul3A_255 = arith.mulf %gather3A_77, %exp3A_254 : vector<16xf32>
      %swap3A_256 = arith.constant 16 : index
      %swap3A_257 = tpu.vector_load %arg14[%swap3A_256] {strides = array<i32>} : memref<256xf32, #tpu.memory_space<vmem>>, vector<16xf32>,
      tpu.vector_store %arg14[%swap3A_256], %mul3A_255 {strides = array<i32>} : memref<256xf32, #tpu.memory_space<vmem>>, vector<16xf32>,
      %add3A_258 = arith.constant 2 : i32
      %add3A_259 = arith.addi %mul3A_2, %add3A_258 : i32
      %convert_element_type3A_260 = arith.sitofp %add3A_259 : i32 to f32
      %sub3A_261 = vector.broadcast %convert_element_type3A_260 : f32 to vector<16xf32>
      %sub3A_262 = arith.subf %sub3A_261, %gather3A_76 : vector<16xf32>
      %mul3A_263 = arith.mulf %sub3A_262, %sub3A_262 : vector<16xf32>
      %mul3A_264 = arith.mulf %mul3A_263, %div3A_82 : vector<16xf32>
      %exp3A_265 = math.exp %mul3A_264 : vector<16xf32>
      %mul3A_266 = arith.mulf %gather3A_77, %exp3A_265 : vector<16xf32>
      %swap3A_267 = arith.constant 32 : index
      %swap3A_268 = tpu.vector_load %arg14[%swap3A_267] {strides = array<i32>} : memref<256xf32, #tpu.memory_space<vmem>>, vector<16xf32>,
      tpu.vector_store %arg14[%swap3A_267], %mul3A_266 {strides = array<i32>} : memref<256xf32, #tpu.memory_space<vmem>>, vector<16xf32>,
      %add3A_269 = arith.constant 3 : i32
      %add3A_270 = arith.addi %mul3A_2, %add3A_269 : i32
      %convert_element_type3A_271 = arith.sitofp %add3A_270 : i32 to f32
      %sub3A_272 = vector.broadcast %convert_element_type3A_271 : f32 to vector<16xf32>
      %sub3A_273 = arith.subf %sub3A_272, %gather3A_76 : vector<16xf32>
      %mul3A_274 = arith.mulf %sub3A_273, %sub3A_273 : vector<16xf32>
      %mul3A_275 = arith.mulf %mul3A_274, %div3A_82 : vector<16xf32>
      %exp3A_276 = math.exp %mul3A_275 : vector<16xf32>
      %mul3A_277 = arith.mulf %gather3A_77, %exp3A_276 : vector<16xf32>
      %swap3A_278 = arith.constant 48 : index
      %swap3A_279 = tpu.vector_load %arg14[%swap3A_278] {strides = array<i32>} : memref<256xf32, #tpu.memory_space<vmem>>, vector<16xf32>,
      tpu.vector_store %arg14[%swap3A_278], %mul3A_277 {strides = array<i32>} : memref<256xf32, #tpu.memory_space<vmem>>, vector<16xf32>,
      %add3A_280 = arith.constant 4 : i32
      %add3A_281 = arith.addi %mul3A_2, %add3A_280 : i32
      %convert_element_type3A_282 = arith.sitofp %add3A_281 : i32 to f32
      %sub3A_283 = vector.broadcast %convert_element_type3A_282 : f32 to vector<16xf32>
      %sub3A_284 = arith.subf %sub3A_283, %gather3A_76 : vector<16xf32>
      %mul3A_285 = arith.mulf %sub3A_284, %sub3A_284 : vector<16xf32>
      %mul3A_286 = arith.mulf %mul3A_285, %div3A_82 : vector<16xf32>
      %exp3A_287 = math.exp %mul3A_286 : vector<16xf32>
      %mul3A_288 = arith.mulf %gather3A_77, %exp3A_287 : vector<16xf32>
      %swap3A_289 = arith.constant 64 : index
      %swap3A_290 = tpu.vector_load %arg14[%swap3A_289] {strides = array<i32>} : memref<256xf32, #tpu.memory_space<vmem>>, vector<16xf32>,
      tpu.vector_store %arg14[%swap3A_289], %mul3A_288 {strides = array<i32>} : memref<256xf32, #tpu.memory_space<vmem>>, vector<16xf32>,
      %add3A_291 = arith.constant 5 : i32
      %add3A_292 = arith.addi %mul3A_2, %add3A_291 : i32
      %convert_element_type3A_293 = arith.sitofp %add3A_292 : i32 to f32
      %sub3A_294 = vector.broadcast %convert_element_type3A_293 : f32 to vector<16xf32>
      %sub3A_295 = arith.subf %sub3A_294, %gather3A_76 : vector<16xf32>
      %mul3A_296 = arith.mulf %sub3A_295, %sub3A_295 : vector<16xf32>
      %mul3A_297 = arith.mulf %mul3A_296, %div3A_82 : vector<16xf32>
      %exp3A_298 = math.exp %mul3A_297 : vector<16xf32>
      %mul3A_299 = arith.mulf %gather3A_77, %exp3A_298 : vector<16xf32>
      %swap3A_300 = arith.constant 80 : index
      %swap3A_301 = tpu.vector_load %arg14[%swap3A_300] {strides = array<i32>} : memref<256xf32, #tpu.memory_space<vmem>>, vector<16xf32>,
      tpu.vector_store %arg14[%swap3A_300], %mul3A_299 {strides = array<i32>} : memref<256xf32, #tpu.memory_space<vmem>>, vector<16xf32>,
      %add3A_302 = arith.constant 6 : i32
      %add3A_303 = arith.addi %mul3A_2, %add3A_302 : i32
      %convert_element_type3A_304 = arith.sitofp %add3A_303 : i32 to f32
      %sub3A_305 = vector.broadcast %convert_element_type3A_304 : f32 to vector<16xf32>
      %sub3A_306 = arith.subf %sub3A_305, %gather3A_76 : vector<16xf32>
      %mul3A_307 = arith.mulf %sub3A_306, %sub3A_306 : vector<16xf32>
      %mul3A_308 = arith.mulf %mul3A_307, %div3A_82 : vector<16xf32>
      %exp3A_309 = math.exp %mul3A_308 : vector<16xf32>
      %mul3A_310 = arith.mulf %gather3A_77, %exp3A_309 : vector<16xf32>
      %swap3A_311 = arith.constant 96 : index
      %swap3A_312 = tpu.vector_load %arg14[%swap3A_311] {strides = array<i32>} : memref<256xf32, #tpu.memory_space<vmem>>, vector<16xf32>,
      tpu.vector_store %arg14[%swap3A_311], %mul3A_310 {strides = array<i32>} : memref<256xf32, #tpu.memory_space<vmem>>, vector<16xf32>,
      %add3A_313 = arith.constant 7 : i32
      %add3A_314 = arith.addi %mul3A_2, %add3A_313 : i32
      %convert_element_type3A_315 = arith.sitofp %add3A_314 : i32 to f32
      %sub3A_316 = vector.broadcast %convert_element_type3A_315 : f32 to vector<16xf32>
      %sub3A_317 = arith.subf %sub3A_316, %gather3A_76 : vector<16xf32>
      %mul3A_318 = arith.mulf %sub3A_317, %sub3A_317 : vector<16xf32>
      %mul3A_319 = arith.mulf %mul3A_318, %div3A_82 : vector<16xf32>
      %exp3A_320 = math.exp %mul3A_319 : vector<16xf32>
      %mul3A_321 = arith.mulf %gather3A_77, %exp3A_320 : vector<16xf32>
      %swap3A_322 = arith.constant 112 : index
      %swap3A_323 = tpu.vector_load %arg14[%swap3A_322] {strides = array<i32>} : memref<256xf32, #tpu.memory_space<vmem>>, vector<16xf32>,
      tpu.vector_store %arg14[%swap3A_322], %mul3A_321 {strides = array<i32>} : memref<256xf32, #tpu.memory_space<vmem>>, vector<16xf32>,
      %add3A_324 = arith.constant 8 : i32
      %add3A_325 = arith.addi %mul3A_2, %add3A_324 : i32
      %convert_element_type3A_326 = arith.sitofp %add3A_325 : i32 to f32
      %sub3A_327 = vector.broadcast %convert_element_type3A_326 : f32 to vector<16xf32>
      %sub3A_328 = arith.subf %sub3A_327, %gather3A_76 : vector<16xf32>
      %mul3A_329 = arith.mulf %sub3A_328, %sub3A_328 : vector<16xf32>
      %mul3A_330 = arith.mulf %mul3A_329, %div3A_82 : vector<16xf32>
      %exp3A_331 = math.exp %mul3A_330 : vector<16xf32>
      %mul3A_332 = arith.mulf %gather3A_77, %exp3A_331 : vector<16xf32>
      %swap3A_333 = arith.constant 128 : index
      %swap3A_334 = tpu.vector_load %arg14[%swap3A_333] {strides = array<i32>} : memref<256xf32, #tpu.memory_space<vmem>>, vector<16xf32>,
      tpu.vector_store %arg14[%swap3A_333], %mul3A_332 {strides = array<i32>} : memref<256xf32, #tpu.memory_space<vmem>>, vector<16xf32>,
      %add3A_335 = arith.constant 9 : i32
      %add3A_336 = arith.addi %mul3A_2, %add3A_335 : i32
      %convert_element_type3A_337 = arith.sitofp %add3A_336 : i32 to f32
      %sub3A_338 = vector.broadcast %convert_element_type3A_337 : f32 to vector<16xf32>
      %sub3A_339 = arith.subf %sub3A_338, %gather3A_76 : vector<16xf32>
      %mul3A_340 = arith.mulf %sub3A_339, %sub3A_339 : vector<16xf32>
      %mul3A_341 = arith.mulf %mul3A_340, %div3A_82 : vector<16xf32>
      %exp3A_342 = math.exp %mul3A_341 : vector<16xf32>
      %mul3A_343 = arith.mulf %gather3A_77, %exp3A_342 : vector<16xf32>
      %swap3A_344 = arith.constant 144 : index
      %swap3A_345 = tpu.vector_load %arg14[%swap3A_344] {strides = array<i32>} : memref<256xf32, #tpu.memory_space<vmem>>, vector<16xf32>,
      tpu.vector_store %arg14[%swap3A_344], %mul3A_343 {strides = array<i32>} : memref<256xf32, #tpu.memory_space<vmem>>, vector<16xf32>,
      %add3A_346 = arith.constant 10 : i32
      %add3A_347 = arith.addi %mul3A_2, %add3A_346 : i32
      %convert_element_type3A_348 = arith.sitofp %add3A_347 : i32 to f32
      %sub3A_349 = vector.broadcast %convert_element_type3A_348 : f32 to vector<16xf32>
      %sub3A_350 = arith.subf %sub3A_349, %gather3A_76 : vector<16xf32>
      %mul3A_351 = arith.mulf %sub3A_350, %sub3A_350 : vector<16xf32>
      %mul3A_352 = arith.mulf %mul3A_351, %div3A_82 : vector<16xf32>
      %exp3A_353 = math.exp %mul3A_352 : vector<16xf32>
      %mul3A_354 = arith.mulf %gather3A_77, %exp3A_353 : vector<16xf32>
      %swap3A_355 = arith.constant 160 : index
      %swap3A_356 = tpu.vector_load %arg14[%swap3A_355] {strides = array<i32>} : memref<256xf32, #tpu.memory_space<vmem>>, vector<16xf32>,
      tpu.vector_store %arg14[%swap3A_355], %mul3A_354 {strides = array<i32>} : memref<256xf32, #tpu.memory_space<vmem>>, vector<16xf32>,
      %add3A_357 = arith.constant 11 : i32
      %add3A_358 = arith.addi %mul3A_2, %add3A_357 : i32
      %convert_element_type3A_359 = arith.sitofp %add3A_358 : i32 to f32
      %sub3A_360 = vector.broadcast %convert_element_type3A_359 : f32 to vector<16xf32>
      %sub3A_361 = arith.subf %sub3A_360, %gather3A_76 : vector<16xf32>
      %mul3A_362 = arith.mulf %sub3A_361, %sub3A_361 : vector<16xf32>
      %mul3A_363 = arith.mulf %mul3A_362, %div3A_82 : vector<16xf32>
      %exp3A_364 = math.exp %mul3A_363 : vector<16xf32>
      %mul3A_365 = arith.mulf %gather3A_77, %exp3A_364 : vector<16xf32>
      %swap3A_366 = arith.constant 176 : index
      %swap3A_367 = tpu.vector_load %arg14[%swap3A_366] {strides = array<i32>} : memref<256xf32, #tpu.memory_space<vmem>>, vector<16xf32>,
      tpu.vector_store %arg14[%swap3A_366], %mul3A_365 {strides = array<i32>} : memref<256xf32, #tpu.memory_space<vmem>>, vector<16xf32>,
      %add3A_368 = arith.constant 12 : i32
      %add3A_369 = arith.addi %mul3A_2, %add3A_368 : i32
      %convert_element_type3A_370 = arith.sitofp %add3A_369 : i32 to f32
      %sub3A_371 = vector.broadcast %convert_element_type3A_370 : f32 to vector<16xf32>
      %sub3A_372 = arith.subf %sub3A_371, %gather3A_76 : vector<16xf32>
      %mul3A_373 = arith.mulf %sub3A_372, %sub3A_372 : vector<16xf32>
      %mul3A_374 = arith.mulf %mul3A_373, %div3A_82 : vector<16xf32>
      %exp3A_375 = math.exp %mul3A_374 : vector<16xf32>
      %mul3A_376 = arith.mulf %gather3A_77, %exp3A_375 : vector<16xf32>
      %swap3A_377 = arith.constant 192 : index
      %swap3A_378 = tpu.vector_load %arg14[%swap3A_377] {strides = array<i32>} : memref<256xf32, #tpu.memory_space<vmem>>, vector<16xf32>,
      tpu.vector_store %arg14[%swap3A_377], %mul3A_376 {strides = array<i32>} : memref<256xf32, #tpu.memory_space<vmem>>, vector<16xf32>,
      %add3A_379 = arith.constant 13 : i32
      %add3A_380 = arith.addi %mul3A_2, %add3A_379 : i32
      %convert_element_type3A_381 = arith.sitofp %add3A_380 : i32 to f32
      %sub3A_382 = vector.broadcast %convert_element_type3A_381 : f32 to vector<16xf32>
      %sub3A_383 = arith.subf %sub3A_382, %gather3A_76 : vector<16xf32>
      %mul3A_384 = arith.mulf %sub3A_383, %sub3A_383 : vector<16xf32>
      %mul3A_385 = arith.mulf %mul3A_384, %div3A_82 : vector<16xf32>
      %exp3A_386 = math.exp %mul3A_385 : vector<16xf32>
      %mul3A_387 = arith.mulf %gather3A_77, %exp3A_386 : vector<16xf32>
      %swap3A_388 = arith.constant 208 : index
      %swap3A_389 = tpu.vector_load %arg14[%swap3A_388] {strides = array<i32>} : memref<256xf32, #tpu.memory_space<vmem>>, vector<16xf32>,
      tpu.vector_store %arg14[%swap3A_388], %mul3A_387 {strides = array<i32>} : memref<256xf32, #tpu.memory_space<vmem>>, vector<16xf32>,
      %add3A_390 = arith.constant 14 : i32
      %add3A_391 = arith.addi %mul3A_2, %add3A_390 : i32
      %convert_element_type3A_392 = arith.sitofp %add3A_391 : i32 to f32
      %sub3A_393 = vector.broadcast %convert_element_type3A_392 : f32 to vector<16xf32>
      %sub3A_394 = arith.subf %sub3A_393, %gather3A_76 : vector<16xf32>
      %mul3A_395 = arith.mulf %sub3A_394, %sub3A_394 : vector<16xf32>
      %mul3A_396 = arith.mulf %mul3A_395, %div3A_82 : vector<16xf32>
      %exp3A_397 = math.exp %mul3A_396 : vector<16xf32>
      %mul3A_398 = arith.mulf %gather3A_77, %exp3A_397 : vector<16xf32>
      %swap3A_399 = arith.constant 224 : index
      %swap3A_400 = tpu.vector_load %arg14[%swap3A_399] {strides = array<i32>} : memref<256xf32, #tpu.memory_space<vmem>>, vector<16xf32>,
      tpu.vector_store %arg14[%swap3A_399], %mul3A_398 {strides = array<i32>} : memref<256xf32, #tpu.memory_space<vmem>>, vector<16xf32>,
      %add3A_401 = arith.constant 15 : i32
      %add3A_402 = arith.addi %mul3A_2, %add3A_401 : i32
      %convert_element_type3A_403 = arith.sitofp %add3A_402 : i32 to f32
      %sub3A_404 = vector.broadcast %convert_element_type3A_403 : f32 to vector<16xf32>
      %sub3A_405 = arith.subf %sub3A_404, %gather3A_76 : vector<16xf32>
      %mul3A_406 = arith.mulf %sub3A_405, %sub3A_405 : vector<16xf32>
      %mul3A_407 = arith.mulf %mul3A_406, %div3A_82 : vector<16xf32>
      %exp3A_408 = math.exp %mul3A_407 : vector<16xf32>
      %mul3A_409 = arith.mulf %gather3A_77, %exp3A_408 : vector<16xf32>
      %swap3A_410 = arith.constant 240 : index
      %swap3A_411 = tpu.vector_load %arg14[%swap3A_410] {strides = array<i32>} : memref<256xf32, #tpu.memory_space<vmem>>, vector<16xf32>,
      tpu.vector_store %arg14[%swap3A_410], %mul3A_409 {strides = array<i32>} : memref<256xf32, #tpu.memory_space<vmem>>, vector<16xf32>,
      %scan3A_412 = arith.constant 0 : i32
      %scan3A_413 = arith.constant 0 : i32
      %scan3A_414 = arith.constant 16 : i32
      %scan3A_415 = arith.addi %scan3A_413, %scan3A_414 : i32
      %scan3A_416 = arith.constant 1 : i32
      %scan3A_417 = scf.for %scan3A_420 = %scan3A_413 to %scan3A_415 step %scan3A_416 iter_args(%scan3A_421 = %scan3A_412) -> (i32)  : i32 {
        %add3A_422 = vector.broadcast %scan3A_420 : i32 to vector<16xi32>
        %add3A_423 = arith.addi %iota3A, %add3A_422 : vector<16xi32>
        %and3A_424 = arith.constant 15 : i32
        %and3A_425 = vector.broadcast %and3A_424 : i32 to vector<16xi32>
        %and3A_426 = arith.andi %add3A_423, %and3A_425 : vector<16xi32>
        %mul3A_427 = arith.constant 16 : i32
        %mul3A_428 = vector.broadcast %mul3A_427 : i32 to vector<16xi32>
        %mul3A_429 = arith.muli %and3A_426, %mul3A_428 : vector<16xi32>
        %add3A_430 = arith.addi %mul3A_429, %iota3A : vector<16xi32>
        %gather3A_431 = tpu.vector_load_idx %arg14[%add3A_430] : memref<256xf32, #tpu.memory_space<vmem>>[vector<16xi32>], vector<16xf32>,
        %mul3A_432 = arith.constant 544 : i32
        %mul3A_433 = vector.broadcast %mul3A_432 : i32 to vector<16xi32>
        %mul3A_434 = arith.muli %and3A_426, %mul3A_433 : vector<16xi32>
        %add3A_435 = arith.addi %mul3A_434, %add3A_87 : vector<16xi32>
        %add3A_436 = arith.constant 0 : i32
        %add3A_437 = vector.broadcast %add3A_436 : i32 to vector<16xi32>
        %add3A_438 = arith.addi %add3A_435, %add3A_437 : vector<16xi32>
        %mul3A_439 = arith.mulf %gather3A_431, %exp3A : vector<16xf32>
        tpu.vector_store_idx %arg15[%add3A_438], %mul3A_439 {add = true} : memref<8704xf32, #tpu.memory_space<vmem>>[vector<16xi32>], vector<16xf32>,
        %add3A_440 = arith.constant 1 : i32
        %add3A_441 = vector.broadcast %add3A_440 : i32 to vector<16xi32>
        %add3A_442 = arith.addi %add3A_435, %add3A_441 : vector<16xi32>
        %mul3A_443 = arith.mulf %gather3A_431, %exp3A_98 : vector<16xf32>
        tpu.vector_store_idx %arg15[%add3A_442], %mul3A_443 {add = true} : memref<8704xf32, #tpu.memory_space<vmem>>[vector<16xi32>], vector<16xf32>,
        %add3A_444 = arith.constant 2 : i32
        %add3A_445 = vector.broadcast %add3A_444 : i32 to vector<16xi32>
        %add3A_446 = arith.addi %add3A_435, %add3A_445 : vector<16xi32>
        %mul3A_447 = arith.mulf %gather3A_431, %exp3A_104 : vector<16xf32>
        tpu.vector_store_idx %arg15[%add3A_446], %mul3A_447 {add = true} : memref<8704xf32, #tpu.memory_space<vmem>>[vector<16xi32>], vector<16xf32>,
        %add3A_448 = arith.constant 3 : i32
        %add3A_449 = vector.broadcast %add3A_448 : i32 to vector<16xi32>
        %add3A_450 = arith.addi %add3A_435, %add3A_449 : vector<16xi32>
        %mul3A_451 = arith.mulf %gather3A_431, %exp3A_110 : vector<16xf32>
        tpu.vector_store_idx %arg15[%add3A_450], %mul3A_451 {add = true} : memref<8704xf32, #tpu.memory_space<vmem>>[vector<16xi32>], vector<16xf32>,
        %add3A_452 = arith.constant 4 : i32
        %add3A_453 = vector.broadcast %add3A_452 : i32 to vector<16xi32>
        %add3A_454 = arith.addi %add3A_435, %add3A_453 : vector<16xi32>
        %mul3A_455 = arith.mulf %gather3A_431, %exp3A_116 : vector<16xf32>
        tpu.vector_store_idx %arg15[%add3A_454], %mul3A_455 {add = true} : memref<8704xf32, #tpu.memory_space<vmem>>[vector<16xi32>], vector<16xf32>,
        %add3A_456 = arith.constant 5 : i32
        %add3A_457 = vector.broadcast %add3A_456 : i32 to vector<16xi32>
        %add3A_458 = arith.addi %add3A_435, %add3A_457 : vector<16xi32>
        %mul3A_459 = arith.mulf %gather3A_431, %exp3A_122 : vector<16xf32>
        tpu.vector_store_idx %arg15[%add3A_458], %mul3A_459 {add = true} : memref<8704xf32, #tpu.memory_space<vmem>>[vector<16xi32>], vector<16xf32>,
        %add3A_460 = arith.constant 6 : i32
        %add3A_461 = vector.broadcast %add3A_460 : i32 to vector<16xi32>
        %add3A_462 = arith.addi %add3A_435, %add3A_461 : vector<16xi32>
        %mul3A_463 = arith.mulf %gather3A_431, %exp3A_128 : vector<16xf32>
        tpu.vector_store_idx %arg15[%add3A_462], %mul3A_463 {add = true} : memref<8704xf32, #tpu.memory_space<vmem>>[vector<16xi32>], vector<16xf32>,
        %add3A_464 = arith.constant 7 : i32
        %add3A_465 = vector.broadcast %add3A_464 : i32 to vector<16xi32>
        %add3A_466 = arith.addi %add3A_435, %add3A_465 : vector<16xi32>
        %mul3A_467 = arith.mulf %gather3A_431, %exp3A_134 : vector<16xf32>
        tpu.vector_store_idx %arg15[%add3A_466], %mul3A_467 {add = true} : memref<8704xf32, #tpu.memory_space<vmem>>[vector<16xi32>], vector<16xf32>,
        %add3A_468 = arith.constant 8 : i32
        %add3A_469 = vector.broadcast %add3A_468 : i32 to vector<16xi32>
        %add3A_470 = arith.addi %add3A_435, %add3A_469 : vector<16xi32>
        %mul3A_471 = arith.mulf %gather3A_431, %exp3A_140 : vector<16xf32>
        tpu.vector_store_idx %arg15[%add3A_470], %mul3A_471 {add = true} : memref<8704xf32, #tpu.memory_space<vmem>>[vector<16xi32>], vector<16xf32>,
        %add3A_472 = arith.constant 9 : i32
        %add3A_473 = vector.broadcast %add3A_472 : i32 to vector<16xi32>
        %add3A_474 = arith.addi %add3A_435, %add3A_473 : vector<16xi32>
        %mul3A_475 = arith.mulf %gather3A_431, %exp3A_146 : vector<16xf32>
        tpu.vector_store_idx %arg15[%add3A_474], %mul3A_475 {add = true} : memref<8704xf32, #tpu.memory_space<vmem>>[vector<16xi32>], vector<16xf32>,
        %add3A_476 = arith.constant 10 : i32
        %add3A_477 = vector.broadcast %add3A_476 : i32 to vector<16xi32>
        %add3A_478 = arith.addi %add3A_435, %add3A_477 : vector<16xi32>
        %mul3A_479 = arith.mulf %gather3A_431, %exp3A_152 : vector<16xf32>
        tpu.vector_store_idx %arg15[%add3A_478], %mul3A_479 {add = true} : memref<8704xf32, #tpu.memory_space<vmem>>[vector<16xi32>], vector<16xf32>,
        %add3A_480 = arith.constant 11 : i32
        %add3A_481 = vector.broadcast %add3A_480 : i32 to vector<16xi32>
        %add3A_482 = arith.addi %add3A_435, %add3A_481 : vector<16xi32>
        %mul3A_483 = arith.mulf %gather3A_431, %exp3A_158 : vector<16xf32>
        tpu.vector_store_idx %arg15[%add3A_482], %mul3A_483 {add = true} : memref<8704xf32, #tpu.memory_space<vmem>>[vector<16xi32>], vector<16xf32>,
        %add3A_484 = arith.constant 12 : i32
        %add3A_485 = vector.broadcast %add3A_484 : i32 to vector<16xi32>
        %add3A_486 = arith.addi %add3A_435, %add3A_485 : vector<16xi32>
        %mul3A_487 = arith.mulf %gather3A_431, %exp3A_164 : vector<16xf32>
        tpu.vector_store_idx %arg15[%add3A_486], %mul3A_487 {add = true} : memref<8704xf32, #tpu.memory_space<vmem>>[vector<16xi32>], vector<16xf32>,
        %add3A_488 = arith.constant 13 : i32
        %add3A_489 = vector.broadcast %add3A_488 : i32 to vector<16xi32>
        %add3A_490 = arith.addi %add3A_435, %add3A_489 : vector<16xi32>
        %mul3A_491 = arith.mulf %gather3A_431, %exp3A_170 : vector<16xf32>
        tpu.vector_store_idx %arg15[%add3A_490], %mul3A_491 {add = true} : memref<8704xf32, #tpu.memory_space<vmem>>[vector<16xi32>], vector<16xf32>,
        %add3A_492 = arith.constant 14 : i32
        %add3A_493 = vector.broadcast %add3A_492 : i32 to vector<16xi32>
        %add3A_494 = arith.addi %add3A_435, %add3A_493 : vector<16xi32>
        %mul3A_495 = arith.mulf %gather3A_431, %exp3A_176 : vector<16xf32>
        tpu.vector_store_idx %arg15[%add3A_494], %mul3A_495 {add = true} : memref<8704xf32, #tpu.memory_space<vmem>>[vector<16xi32>], vector<16xf32>,
        %add3A_496 = arith.constant 15 : i32
        %add3A_497 = vector.broadcast %add3A_496 : i32 to vector<16xi32>
        %add3A_498 = arith.addi %add3A_435, %add3A_497 : vector<16xi32>
        %mul3A_499 = arith.mulf %gather3A_431, %exp3A_182 : vector<16xf32>
        tpu.vector_store_idx %arg15[%add3A_498], %mul3A_499 {add = true} : memref<8704xf32, #tpu.memory_space<vmem>>[vector<16xi32>], vector<16xf32>,
        %add3A_500 = arith.constant 16 : i32
        %add3A_501 = vector.broadcast %add3A_500 : i32 to vector<16xi32>
        %add3A_502 = arith.addi %add3A_435, %add3A_501 : vector<16xi32>
        %mul3A_503 = arith.mulf %gather3A_431, %exp3A_188 : vector<16xf32>
        tpu.vector_store_idx %arg15[%add3A_502], %mul3A_503 {add = true} : memref<8704xf32, #tpu.memory_space<vmem>>[vector<16xi32>], vector<16xf32>,
        %add3A_504 = arith.constant 17 : i32
        %add3A_505 = vector.broadcast %add3A_504 : i32 to vector<16xi32>
        %add3A_506 = arith.addi %add3A_435, %add3A_505 : vector<16xi32>
        %mul3A_507 = arith.mulf %gather3A_431, %exp3A_194 : vector<16xf32>
        tpu.vector_store_idx %arg15[%add3A_506], %mul3A_507 {add = true} : memref<8704xf32, #tpu.memory_space<vmem>>[vector<16xi32>], vector<16xf32>,
        %add3A_508 = arith.constant 18 : i32
        %add3A_509 = vector.broadcast %add3A_508 : i32 to vector<16xi32>
        %add3A_510 = arith.addi %add3A_435, %add3A_509 : vector<16xi32>
        %mul3A_511 = arith.mulf %gather3A_431, %exp3A_200 : vector<16xf32>
        tpu.vector_store_idx %arg15[%add3A_510], %mul3A_511 {add = true} : memref<8704xf32, #tpu.memory_space<vmem>>[vector<16xi32>], vector<16xf32>,
        %add3A_512 = arith.constant 19 : i32
        %add3A_513 = vector.broadcast %add3A_512 : i32 to vector<16xi32>
        %add3A_514 = arith.addi %add3A_435, %add3A_513 : vector<16xi32>
        %mul3A_515 = arith.mulf %gather3A_431, %exp3A_206 : vector<16xf32>
        tpu.vector_store_idx %arg15[%add3A_514], %mul3A_515 {add = true} : memref<8704xf32, #tpu.memory_space<vmem>>[vector<16xi32>], vector<16xf32>,
        %add3A_516 = arith.constant 20 : i32
        %add3A_517 = vector.broadcast %add3A_516 : i32 to vector<16xi32>
        %add3A_518 = arith.addi %add3A_435, %add3A_517 : vector<16xi32>
        %mul3A_519 = arith.mulf %gather3A_431, %exp3A_212 : vector<16xf32>
        tpu.vector_store_idx %arg15[%add3A_518], %mul3A_519 {add = true} : memref<8704xf32, #tpu.memory_space<vmem>>[vector<16xi32>], vector<16xf32>,
        %add3A_520 = arith.constant 21 : i32
        %add3A_521 = vector.broadcast %add3A_520 : i32 to vector<16xi32>
        %add3A_522 = arith.addi %add3A_435, %add3A_521 : vector<16xi32>
        %mul3A_523 = arith.mulf %gather3A_431, %exp3A_218 : vector<16xf32>
        tpu.vector_store_idx %arg15[%add3A_522], %mul3A_523 {add = true} : memref<8704xf32, #tpu.memory_space<vmem>>[vector<16xi32>], vector<16xf32>,
        %add3A_524 = arith.constant 22 : i32
        %add3A_525 = vector.broadcast %add3A_524 : i32 to vector<16xi32>
        %add3A_526 = arith.addi %add3A_435, %add3A_525 : vector<16xi32>
        %mul3A_527 = arith.mulf %gather3A_431, %exp3A_224 : vector<16xf32>
        tpu.vector_store_idx %arg15[%add3A_526], %mul3A_527 {add = true} : memref<8704xf32, #tpu.memory_space<vmem>>[vector<16xi32>], vector<16xf32>,
        %add3A_528 = arith.constant 23 : i32
        %add3A_529 = vector.broadcast %add3A_528 : i32 to vector<16xi32>
        %add3A_530 = arith.addi %add3A_435, %add3A_529 : vector<16xi32>
        %mul3A_531 = arith.mulf %gather3A_431, %exp3A_230 : vector<16xf32>
        tpu.vector_store_idx %arg15[%add3A_530], %mul3A_531 {add = true} : memref<8704xf32, #tpu.memory_space<vmem>>[vector<16xi32>], vector<16xf32>,
        %add3A_532 = arith.constant 24 : i32
        %add3A_533 = vector.broadcast %add3A_532 : i32 to vector<16xi32>
        %add3A_534 = arith.addi %add3A_435, %add3A_533 : vector<16xi32>
        %mul3A_535 = arith.mulf %gather3A_431, %exp3A_236 : vector<16xf32>
        tpu.vector_store_idx %arg15[%add3A_534], %mul3A_535 {add = true} : memref<8704xf32, #tpu.memory_space<vmem>>[vector<16xi32>], vector<16xf32>,
        %scan3A_536 = arith.constant 0 : i32
        scf.yield %scan3A_536 : i32
      }
      %scan3A_418 = arith.constant 16 : i32
      %while3A_419 = arith.constant 0 : i32
      scf.yield %while3A_419 : i32
    }
    %scan3A_63 = arith.constant 0 : i32
    %scan3A_64 = arith.constant 0 : i32
    %scan3A_65 = arith.constant 16 : i32
    %scan3A_66 = arith.addi %scan3A_64, %scan3A_65 : i32
    %scan3A_67 = arith.constant 1 : i32
    %scan3A_68 = scf.for %scan3A_70 = %scan3A_64 to %scan3A_66 step %scan3A_67 iter_args(%scan3A_71 = %scan3A_63) -> (i32)  : i32 {
      %mul3A_72 = arith.constant 544 : i32
      %mul3A_73 = arith.muli %scan3A_70, %mul3A_72 : i32
      %add3A_74 = arith.constant 16 : i32
      %add3A_75 = arith.addi %mul3A_73, %add3A_74 : i32
      %add3A_76 = arith.constant 0 : i32
      %add3A_77 = arith.addi %add3A_75, %add3A_76 : i32
      %get3A_78 = arith.index_cast %add3A_77 : i32 to index
      %get3A_79 = tpu.vector_load %arg15[%get3A_78] {strides = array<i32>} : memref<8704xf32, #tpu.memory_space<vmem>>, vector<16xf32>,
      %swap3A = arith.index_cast %scan3A_70 : i32 to index
      %swap3A_80 = arith.constant 0 : index
      %swap3A_81 = tpu.vector_load %arg16[%swap3A, %swap3A_80] {strides = array<i32>} : memref<16x512xf32, #tpu.memory_space<vmem>>, vector<16xf32>,
      tpu.vector_store %arg16[%swap3A, %swap3A_80], %get3A_79 {strides = array<i32>} : memref<16x512xf32, #tpu.memory_space<vmem>>, vector<16xf32>,
      %mul3A_82 = arith.constant 544 : i32
      %mul3A_83 = arith.muli %scan3A_70, %mul3A_82 : i32
      %add3A_84 = arith.constant 16 : i32
      %add3A_85 = arith.addi %mul3A_83, %add3A_84 : i32
      %add3A_86 = arith.constant 16 : i32
      %add3A_87 = arith.addi %add3A_85, %add3A_86 : i32
      %get3A_88 = arith.index_cast %add3A_87 : i32 to index
      %get3A_89 = tpu.vector_load %arg15[%get3A_88] {strides = array<i32>} : memref<8704xf32, #tpu.memory_space<vmem>>, vector<16xf32>,
      %swap3A_90 = arith.index_cast %scan3A_70 : i32 to index
      %swap3A_91 = arith.constant 16 : index
      %swap3A_92 = tpu.vector_load %arg16[%swap3A_90, %swap3A_91] {strides = array<i32>} : memref<16x512xf32, #tpu.memory_space<vmem>>, vector<16xf32>,
      tpu.vector_store %arg16[%swap3A_90, %swap3A_91], %get3A_89 {strides = array<i32>} : memref<16x512xf32, #tpu.memory_space<vmem>>, vector<16xf32>,
      %mul3A_93 = arith.constant 544 : i32
      %mul3A_94 = arith.muli %scan3A_70, %mul3A_93 : i32
      %add3A_95 = arith.constant 16 : i32
      %add3A_96 = arith.addi %mul3A_94, %add3A_95 : i32
      %add3A_97 = arith.constant 32 : i32
      %add3A_98 = arith.addi %add3A_96, %add3A_97 : i32
      %get3A_99 = arith.index_cast %add3A_98 : i32 to index
      %get3A_100 = tpu.vector_load %arg15[%get3A_99] {strides = array<i32>} : memref<8704xf32, #tpu.memory_space<vmem>>, vector<16xf32>,
      %swap3A_101 = arith.index_cast %scan3A_70 : i32 to index
      %swap3A_102 = arith.constant 32 : index
      %swap3A_103 = tpu.vector_load %arg16[%swap3A_101, %swap3A_102] {strides = array<i32>} : memref<16x512xf32, #tpu.memory_space<vmem>>, vector<16xf32>,
      tpu.vector_store %arg16[%swap3A_101, %swap3A_102], %get3A_100 {strides = array<i32>} : memref<16x512xf32, #tpu.memory_space<vmem>>, vector<16xf32>,
      %mul3A_104 = arith.constant 544 : i32
      %mul3A_105 = arith.muli %scan3A_70, %mul3A_104 : i32
      %add3A_106 = arith.constant 16 : i32
      %add3A_107 = arith.addi %mul3A_105, %add3A_106 : i32
      %add3A_108 = arith.constant 48 : i32
      %add3A_109 = arith.addi %add3A_107, %add3A_108 : i32
      %get3A_110 = arith.index_cast %add3A_109 : i32 to index
      %get3A_111 = tpu.vector_load %arg15[%get3A_110] {strides = array<i32>} : memref<8704xf32, #tpu.memory_space<vmem>>, vector<16xf32>,
      %swap3A_112 = arith.index_cast %scan3A_70 : i32 to index
      %swap3A_113 = arith.constant 48 : index
      %swap3A_114 = tpu.vector_load %arg16[%swap3A_112, %swap3A_113] {strides = array<i32>} : memref<16x512xf32, #tpu.memory_space<vmem>>, vector<16xf32>,
      tpu.vector_store %arg16[%swap3A_112, %swap3A_113], %get3A_111 {strides = array<i32>} : memref<16x512xf32, #tpu.memory_space<vmem>>, vector<16xf32>,
      %mul3A_115 = arith.constant 544 : i32
      %mul3A_116 = arith.muli %scan3A_70, %mul3A_115 : i32
      %add3A_117 = arith.constant 16 : i32
      %add3A_118 = arith.addi %mul3A_116, %add3A_117 : i32
      %add3A_119 = arith.constant 64 : i32
      %add3A_120 = arith.addi %add3A_118, %add3A_119 : i32
      %get3A_121 = arith.index_cast %add3A_120 : i32 to index
      %get3A_122 = tpu.vector_load %arg15[%get3A_121] {strides = array<i32>} : memref<8704xf32, #tpu.memory_space<vmem>>, vector<16xf32>,
      %swap3A_123 = arith.index_cast %scan3A_70 : i32 to index
      %swap3A_124 = arith.constant 64 : index
      %swap3A_125 = tpu.vector_load %arg16[%swap3A_123, %swap3A_124] {strides = array<i32>} : memref<16x512xf32, #tpu.memory_space<vmem>>, vector<16xf32>,
      tpu.vector_store %arg16[%swap3A_123, %swap3A_124], %get3A_122 {strides = array<i32>} : memref<16x512xf32, #tpu.memory_space<vmem>>, vector<16xf32>,
      %mul3A_126 = arith.constant 544 : i32
      %mul3A_127 = arith.muli %scan3A_70, %mul3A_126 : i32
      %add3A_128 = arith.constant 16 : i32
      %add3A_129 = arith.addi %mul3A_127, %add3A_128 : i32
      %add3A_130 = arith.constant 80 : i32
      %add3A_131 = arith.addi %add3A_129, %add3A_130 : i32
      %get3A_132 = arith.index_cast %add3A_131 : i32 to index
      %get3A_133 = tpu.vector_load %arg15[%get3A_132] {strides = array<i32>} : memref<8704xf32, #tpu.memory_space<vmem>>, vector<16xf32>,
      %swap3A_134 = arith.index_cast %scan3A_70 : i32 to index
      %swap3A_135 = arith.constant 80 : index
      %swap3A_136 = tpu.vector_load %arg16[%swap3A_134, %swap3A_135] {strides = array<i32>} : memref<16x512xf32, #tpu.memory_space<vmem>>, vector<16xf32>,
      tpu.vector_store %arg16[%swap3A_134, %swap3A_135], %get3A_133 {strides = array<i32>} : memref<16x512xf32, #tpu.memory_space<vmem>>, vector<16xf32>,
      %mul3A_137 = arith.constant 544 : i32
      %mul3A_138 = arith.muli %scan3A_70, %mul3A_137 : i32
      %add3A_139 = arith.constant 16 : i32
      %add3A_140 = arith.addi %mul3A_138, %add3A_139 : i32
      %add3A_141 = arith.constant 96 : i32
      %add3A_142 = arith.addi %add3A_140, %add3A_141 : i32
      %get3A_143 = arith.index_cast %add3A_142 : i32 to index
      %get3A_144 = tpu.vector_load %arg15[%get3A_143] {strides = array<i32>} : memref<8704xf32, #tpu.memory_space<vmem>>, vector<16xf32>,
      %swap3A_145 = arith.index_cast %scan3A_70 : i32 to index
      %swap3A_146 = arith.constant 96 : index
      %swap3A_147 = tpu.vector_load %arg16[%swap3A_145, %swap3A_146] {strides = array<i32>} : memref<16x512xf32, #tpu.memory_space<vmem>>, vector<16xf32>,
      tpu.vector_store %arg16[%swap3A_145, %swap3A_146], %get3A_144 {strides = array<i32>} : memref<16x512xf32, #tpu.memory_space<vmem>>, vector<16xf32>,
      %mul3A_148 = arith.constant 544 : i32
      %mul3A_149 = arith.muli %scan3A_70, %mul3A_148 : i32
      %add3A_150 = arith.constant 16 : i32
      %add3A_151 = arith.addi %mul3A_149, %add3A_150 : i32
      %add3A_152 = arith.constant 112 : i32
      %add3A_153 = arith.addi %add3A_151, %add3A_152 : i32
      %get3A_154 = arith.index_cast %add3A_153 : i32 to index
      %get3A_155 = tpu.vector_load %arg15[%get3A_154] {strides = array<i32>} : memref<8704xf32, #tpu.memory_space<vmem>>, vector<16xf32>,
      %swap3A_156 = arith.index_cast %scan3A_70 : i32 to index
      %swap3A_157 = arith.constant 112 : index
      %swap3A_158 = tpu.vector_load %arg16[%swap3A_156, %swap3A_157] {strides = array<i32>} : memref<16x512xf32, #tpu.memory_space<vmem>>, vector<16xf32>,
      tpu.vector_store %arg16[%swap3A_156, %swap3A_157], %get3A_155 {strides = array<i32>} : memref<16x512xf32, #tpu.memory_space<vmem>>, vector<16xf32>,
      %mul3A_159 = arith.constant 544 : i32
      %mul3A_160 = arith.muli %scan3A_70, %mul3A_159 : i32
      %add3A_161 = arith.constant 16 : i32
      %add3A_162 = arith.addi %mul3A_160, %add3A_161 : i32
      %add3A_163 = arith.constant 128 : i32
      %add3A_164 = arith.addi %add3A_162, %add3A_163 : i32
      %get3A_165 = arith.index_cast %add3A_164 : i32 to index
      %get3A_166 = tpu.vector_load %arg15[%get3A_165] {strides = array<i32>} : memref<8704xf32, #tpu.memory_space<vmem>>, vector<16xf32>,
      %swap3A_167 = arith.index_cast %scan3A_70 : i32 to index
      %swap3A_168 = arith.constant 128 : index
      %swap3A_169 = tpu.vector_load %arg16[%swap3A_167, %swap3A_168] {strides = array<i32>} : memref<16x512xf32, #tpu.memory_space<vmem>>, vector<16xf32>,
      tpu.vector_store %arg16[%swap3A_167, %swap3A_168], %get3A_166 {strides = array<i32>} : memref<16x512xf32, #tpu.memory_space<vmem>>, vector<16xf32>,
      %mul3A_170 = arith.constant 544 : i32
      %mul3A_171 = arith.muli %scan3A_70, %mul3A_170 : i32
      %add3A_172 = arith.constant 16 : i32
      %add3A_173 = arith.addi %mul3A_171, %add3A_172 : i32
      %add3A_174 = arith.constant 144 : i32
      %add3A_175 = arith.addi %add3A_173, %add3A_174 : i32
      %get3A_176 = arith.index_cast %add3A_175 : i32 to index
      %get3A_177 = tpu.vector_load %arg15[%get3A_176] {strides = array<i32>} : memref<8704xf32, #tpu.memory_space<vmem>>, vector<16xf32>,
      %swap3A_178 = arith.index_cast %scan3A_70 : i32 to index
      %swap3A_179 = arith.constant 144 : index
      %swap3A_180 = tpu.vector_load %arg16[%swap3A_178, %swap3A_179] {strides = array<i32>} : memref<16x512xf32, #tpu.memory_space<vmem>>, vector<16xf32>,
      tpu.vector_store %arg16[%swap3A_178, %swap3A_179], %get3A_177 {strides = array<i32>} : memref<16x512xf32, #tpu.memory_space<vmem>>, vector<16xf32>,
      %mul3A_181 = arith.constant 544 : i32
      %mul3A_182 = arith.muli %scan3A_70, %mul3A_181 : i32
      %add3A_183 = arith.constant 16 : i32
      %add3A_184 = arith.addi %mul3A_182, %add3A_183 : i32
      %add3A_185 = arith.constant 160 : i32
      %add3A_186 = arith.addi %add3A_184, %add3A_185 : i32
      %get3A_187 = arith.index_cast %add3A_186 : i32 to index
      %get3A_188 = tpu.vector_load %arg15[%get3A_187] {strides = array<i32>} : memref<8704xf32, #tpu.memory_space<vmem>>, vector<16xf32>,
      %swap3A_189 = arith.index_cast %scan3A_70 : i32 to index
      %swap3A_190 = arith.constant 160 : index
      %swap3A_191 = tpu.vector_load %arg16[%swap3A_189, %swap3A_190] {strides = array<i32>} : memref<16x512xf32, #tpu.memory_space<vmem>>, vector<16xf32>,
      tpu.vector_store %arg16[%swap3A_189, %swap3A_190], %get3A_188 {strides = array<i32>} : memref<16x512xf32, #tpu.memory_space<vmem>>, vector<16xf32>,
      %mul3A_192 = arith.constant 544 : i32
      %mul3A_193 = arith.muli %scan3A_70, %mul3A_192 : i32
      %add3A_194 = arith.constant 16 : i32
      %add3A_195 = arith.addi %mul3A_193, %add3A_194 : i32
      %add3A_196 = arith.constant 176 : i32
      %add3A_197 = arith.addi %add3A_195, %add3A_196 : i32
      %get3A_198 = arith.index_cast %add3A_197 : i32 to index
      %get3A_199 = tpu.vector_load %arg15[%get3A_198] {strides = array<i32>} : memref<8704xf32, #tpu.memory_space<vmem>>, vector<16xf32>,
      %swap3A_200 = arith.index_cast %scan3A_70 : i32 to index
      %swap3A_201 = arith.constant 176 : index
      %swap3A_202 = tpu.vector_load %arg16[%swap3A_200, %swap3A_201] {strides = array<i32>} : memref<16x512xf32, #tpu.memory_space<vmem>>, vector<16xf32>,
      tpu.vector_store %arg16[%swap3A_200, %swap3A_201], %get3A_199 {strides = array<i32>} : memref<16x512xf32, #tpu.memory_space<vmem>>, vector<16xf32>,
      %mul3A_203 = arith.constant 544 : i32
      %mul3A_204 = arith.muli %scan3A_70, %mul3A_203 : i32
      %add3A_205 = arith.constant 16 : i32
      %add3A_206 = arith.addi %mul3A_204, %add3A_205 : i32
      %add3A_207 = arith.constant 192 : i32
      %add3A_208 = arith.addi %add3A_206, %add3A_207 : i32
      %get3A_209 = arith.index_cast %add3A_208 : i32 to index
      %get3A_210 = tpu.vector_load %arg15[%get3A_209] {strides = array<i32>} : memref<8704xf32, #tpu.memory_space<vmem>>, vector<16xf32>,
      %swap3A_211 = arith.index_cast %scan3A_70 : i32 to index
      %swap3A_212 = arith.constant 192 : index
      %swap3A_213 = tpu.vector_load %arg16[%swap3A_211, %swap3A_212] {strides = array<i32>} : memref<16x512xf32, #tpu.memory_space<vmem>>, vector<16xf32>,
      tpu.vector_store %arg16[%swap3A_211, %swap3A_212], %get3A_210 {strides = array<i32>} : memref<16x512xf32, #tpu.memory_space<vmem>>, vector<16xf32>,
      %mul3A_214 = arith.constant 544 : i32
      %mul3A_215 = arith.muli %scan3A_70, %mul3A_214 : i32
      %add3A_216 = arith.constant 16 : i32
      %add3A_217 = arith.addi %mul3A_215, %add3A_216 : i32
      %add3A_218 = arith.constant 208 : i32
      %add3A_219 = arith.addi %add3A_217, %add3A_218 : i32
      %get3A_220 = arith.index_cast %add3A_219 : i32 to index
      %get3A_221 = tpu.vector_load %arg15[%get3A_220] {strides = array<i32>} : memref<8704xf32, #tpu.memory_space<vmem>>, vector<16xf32>,
      %swap3A_222 = arith.index_cast %scan3A_70 : i32 to index
      %swap3A_223 = arith.constant 208 : index
      %swap3A_224 = tpu.vector_load %arg16[%swap3A_222, %swap3A_223] {strides = array<i32>} : memref<16x512xf32, #tpu.memory_space<vmem>>, vector<16xf32>,
      tpu.vector_store %arg16[%swap3A_222, %swap3A_223], %get3A_221 {strides = array<i32>} : memref<16x512xf32, #tpu.memory_space<vmem>>, vector<16xf32>,
      %mul3A_225 = arith.constant 544 : i32
      %mul3A_226 = arith.muli %scan3A_70, %mul3A_225 : i32
      %add3A_227 = arith.constant 16 : i32
      %add3A_228 = arith.addi %mul3A_226, %add3A_227 : i32
      %add3A_229 = arith.constant 224 : i32
      %add3A_230 = arith.addi %add3A_228, %add3A_229 : i32
      %get3A_231 = arith.index_cast %add3A_230 : i32 to index
      %get3A_232 = tpu.vector_load %arg15[%get3A_231] {strides = array<i32>} : memref<8704xf32, #tpu.memory_space<vmem>>, vector<16xf32>,
      %swap3A_233 = arith.index_cast %scan3A_70 : i32 to index
      %swap3A_234 = arith.constant 224 : index
      %swap3A_235 = tpu.vector_load %arg16[%swap3A_233, %swap3A_234] {strides = array<i32>} : memref<16x512xf32, #tpu.memory_space<vmem>>, vector<16xf32>,
      tpu.vector_store %arg16[%swap3A_233, %swap3A_234], %get3A_232 {strides = array<i32>} : memref<16x512xf32, #tpu.memory_space<vmem>>, vector<16xf32>,
      %mul3A_236 = arith.constant 544 : i32
      %mul3A_237 = arith.muli %scan3A_70, %mul3A_236 : i32
      %add3A_238 = arith.constant 16 : i32
      %add3A_239 = arith.addi %mul3A_237, %add3A_238 : i32
      %add3A_240 = arith.constant 240 : i32
      %add3A_241 = arith.addi %add3A_239, %add3A_240 : i32
      %get3A_242 = arith.index_cast %add3A_241 : i32 to index
      %get3A_243 = tpu.vector_load %arg15[%get3A_242] {strides = array<i32>} : memref<8704xf32, #tpu.memory_space<vmem>>, vector<16xf32>,
      %swap3A_244 = arith.index_cast %scan3A_70 : i32 to index
      %swap3A_245 = arith.constant 240 : index
      %swap3A_246 = tpu.vector_load %arg16[%swap3A_244, %swap3A_245] {strides = array<i32>} : memref<16x512xf32, #tpu.memory_space<vmem>>, vector<16xf32>,
      tpu.vector_store %arg16[%swap3A_244, %swap3A_245], %get3A_243 {strides = array<i32>} : memref<16x512xf32, #tpu.memory_space<vmem>>, vector<16xf32>,
      %mul3A_247 = arith.constant 544 : i32
      %mul3A_248 = arith.muli %scan3A_70, %mul3A_247 : i32
      %add3A_249 = arith.constant 16 : i32
      %add3A_250 = arith.addi %mul3A_248, %add3A_249 : i32
      %add3A_251 = arith.constant 256 : i32
      %add3A_252 = arith.addi %add3A_250, %add3A_251 : i32
      %get3A_253 = arith.index_cast %add3A_252 : i32 to index
      %get3A_254 = tpu.vector_load %arg15[%get3A_253] {strides = array<i32>} : memref<8704xf32, #tpu.memory_space<vmem>>, vector<16xf32>,
      %swap3A_255 = arith.index_cast %scan3A_70 : i32 to index
      %swap3A_256 = arith.constant 256 : index
      %swap3A_257 = tpu.vector_load %arg16[%swap3A_255, %swap3A_256] {strides = array<i32>} : memref<16x512xf32, #tpu.memory_space<vmem>>, vector<16xf32>,
      tpu.vector_store %arg16[%swap3A_255, %swap3A_256], %get3A_254 {strides = array<i32>} : memref<16x512xf32, #tpu.memory_space<vmem>>, vector<16xf32>,
      %mul3A_258 = arith.constant 544 : i32
      %mul3A_259 = arith.muli %scan3A_70, %mul3A_258 : i32
      %add3A_260 = arith.constant 16 : i32
      %add3A_261 = arith.addi %mul3A_259, %add3A_260 : i32
      %add3A_262 = arith.constant 272 : i32
      %add3A_263 = arith.addi %add3A_261, %add3A_262 : i32
      %get3A_264 = arith.index_cast %add3A_263 : i32 to index
      %get3A_265 = tpu.vector_load %arg15[%get3A_264] {strides = array<i32>} : memref<8704xf32, #tpu.memory_space<vmem>>, vector<16xf32>,
      %swap3A_266 = arith.index_cast %scan3A_70 : i32 to index
      %swap3A_267 = arith.constant 272 : index
      %swap3A_268 = tpu.vector_load %arg16[%swap3A_266, %swap3A_267] {strides = array<i32>} : memref<16x512xf32, #tpu.memory_space<vmem>>, vector<16xf32>,
      tpu.vector_store %arg16[%swap3A_266, %swap3A_267], %get3A_265 {strides = array<i32>} : memref<16x512xf32, #tpu.memory_space<vmem>>, vector<16xf32>,
      %mul3A_269 = arith.constant 544 : i32
      %mul3A_270 = arith.muli %scan3A_70, %mul3A_269 : i32
      %add3A_271 = arith.constant 16 : i32
      %add3A_272 = arith.addi %mul3A_270, %add3A_271 : i32
      %add3A_273 = arith.constant 288 : i32
      %add3A_274 = arith.addi %add3A_272, %add3A_273 : i32
      %get3A_275 = arith.index_cast %add3A_274 : i32 to index
      %get3A_276 = tpu.vector_load %arg15[%get3A_275] {strides = array<i32>} : memref<8704xf32, #tpu.memory_space<vmem>>, vector<16xf32>,
      %swap3A_277 = arith.index_cast %scan3A_70 : i32 to index
      %swap3A_278 = arith.constant 288 : index
      %swap3A_279 = tpu.vector_load %arg16[%swap3A_277, %swap3A_278] {strides = array<i32>} : memref<16x512xf32, #tpu.memory_space<vmem>>, vector<16xf32>,
      tpu.vector_store %arg16[%swap3A_277, %swap3A_278], %get3A_276 {strides = array<i32>} : memref<16x512xf32, #tpu.memory_space<vmem>>, vector<16xf32>,
      %mul3A_280 = arith.constant 544 : i32
      %mul3A_281 = arith.muli %scan3A_70, %mul3A_280 : i32
      %add3A_282 = arith.constant 16 : i32
      %add3A_283 = arith.addi %mul3A_281, %add3A_282 : i32
      %add3A_284 = arith.constant 304 : i32
      %add3A_285 = arith.addi %add3A_283, %add3A_284 : i32
      %get3A_286 = arith.index_cast %add3A_285 : i32 to index
      %get3A_287 = tpu.vector_load %arg15[%get3A_286] {strides = array<i32>} : memref<8704xf32, #tpu.memory_space<vmem>>, vector<16xf32>,
      %swap3A_288 = arith.index_cast %scan3A_70 : i32 to index
      %swap3A_289 = arith.constant 304 : index
      %swap3A_290 = tpu.vector_load %arg16[%swap3A_288, %swap3A_289] {strides = array<i32>} : memref<16x512xf32, #tpu.memory_space<vmem>>, vector<16xf32>,
      tpu.vector_store %arg16[%swap3A_288, %swap3A_289], %get3A_287 {strides = array<i32>} : memref<16x512xf32, #tpu.memory_space<vmem>>, vector<16xf32>,
      %mul3A_291 = arith.constant 544 : i32
      %mul3A_292 = arith.muli %scan3A_70, %mul3A_291 : i32
      %add3A_293 = arith.constant 16 : i32
      %add3A_294 = arith.addi %mul3A_292, %add3A_293 : i32
      %add3A_295 = arith.constant 320 : i32
      %add3A_296 = arith.addi %add3A_294, %add3A_295 : i32
      %get3A_297 = arith.index_cast %add3A_296 : i32 to index
      %get3A_298 = tpu.vector_load %arg15[%get3A_297] {strides = array<i32>} : memref<8704xf32, #tpu.memory_space<vmem>>, vector<16xf32>,
      %swap3A_299 = arith.index_cast %scan3A_70 : i32 to index
      %swap3A_300 = arith.constant 320 : index
      %swap3A_301 = tpu.vector_load %arg16[%swap3A_299, %swap3A_300] {strides = array<i32>} : memref<16x512xf32, #tpu.memory_space<vmem>>, vector<16xf32>,
      tpu.vector_store %arg16[%swap3A_299, %swap3A_300], %get3A_298 {strides = array<i32>} : memref<16x512xf32, #tpu.memory_space<vmem>>, vector<16xf32>,
      %mul3A_302 = arith.constant 544 : i32
      %mul3A_303 = arith.muli %scan3A_70, %mul3A_302 : i32
      %add3A_304 = arith.constant 16 : i32
      %add3A_305 = arith.addi %mul3A_303, %add3A_304 : i32
      %add3A_306 = arith.constant 336 : i32
      %add3A_307 = arith.addi %add3A_305, %add3A_306 : i32
      %get3A_308 = arith.index_cast %add3A_307 : i32 to index
      %get3A_309 = tpu.vector_load %arg15[%get3A_308] {strides = array<i32>} : memref<8704xf32, #tpu.memory_space<vmem>>, vector<16xf32>,
      %swap3A_310 = arith.index_cast %scan3A_70 : i32 to index
      %swap3A_311 = arith.constant 336 : index
      %swap3A_312 = tpu.vector_load %arg16[%swap3A_310, %swap3A_311] {strides = array<i32>} : memref<16x512xf32, #tpu.memory_space<vmem>>, vector<16xf32>,
      tpu.vector_store %arg16[%swap3A_310, %swap3A_311], %get3A_309 {strides = array<i32>} : memref<16x512xf32, #tpu.memory_space<vmem>>, vector<16xf32>,
      %mul3A_313 = arith.constant 544 : i32
      %mul3A_314 = arith.muli %scan3A_70, %mul3A_313 : i32
      %add3A_315 = arith.constant 16 : i32
      %add3A_316 = arith.addi %mul3A_314, %add3A_315 : i32
      %add3A_317 = arith.constant 352 : i32
      %add3A_318 = arith.addi %add3A_316, %add3A_317 : i32
      %get3A_319 = arith.index_cast %add3A_318 : i32 to index
      %get3A_320 = tpu.vector_load %arg15[%get3A_319] {strides = array<i32>} : memref<8704xf32, #tpu.memory_space<vmem>>, vector<16xf32>,
      %swap3A_321 = arith.index_cast %scan3A_70 : i32 to index
      %swap3A_322 = arith.constant 352 : index
      %swap3A_323 = tpu.vector_load %arg16[%swap3A_321, %swap3A_322] {strides = array<i32>} : memref<16x512xf32, #tpu.memory_space<vmem>>, vector<16xf32>,
      tpu.vector_store %arg16[%swap3A_321, %swap3A_322], %get3A_320 {strides = array<i32>} : memref<16x512xf32, #tpu.memory_space<vmem>>, vector<16xf32>,
      %mul3A_324 = arith.constant 544 : i32
      %mul3A_325 = arith.muli %scan3A_70, %mul3A_324 : i32
      %add3A_326 = arith.constant 16 : i32
      %add3A_327 = arith.addi %mul3A_325, %add3A_326 : i32
      %add3A_328 = arith.constant 368 : i32
      %add3A_329 = arith.addi %add3A_327, %add3A_328 : i32
      %get3A_330 = arith.index_cast %add3A_329 : i32 to index
      %get3A_331 = tpu.vector_load %arg15[%get3A_330] {strides = array<i32>} : memref<8704xf32, #tpu.memory_space<vmem>>, vector<16xf32>,
      %swap3A_332 = arith.index_cast %scan3A_70 : i32 to index
      %swap3A_333 = arith.constant 368 : index
      %swap3A_334 = tpu.vector_load %arg16[%swap3A_332, %swap3A_333] {strides = array<i32>} : memref<16x512xf32, #tpu.memory_space<vmem>>, vector<16xf32>,
      tpu.vector_store %arg16[%swap3A_332, %swap3A_333], %get3A_331 {strides = array<i32>} : memref<16x512xf32, #tpu.memory_space<vmem>>, vector<16xf32>,
      %mul3A_335 = arith.constant 544 : i32
      %mul3A_336 = arith.muli %scan3A_70, %mul3A_335 : i32
      %add3A_337 = arith.constant 16 : i32
      %add3A_338 = arith.addi %mul3A_336, %add3A_337 : i32
      %add3A_339 = arith.constant 384 : i32
      %add3A_340 = arith.addi %add3A_338, %add3A_339 : i32
      %get3A_341 = arith.index_cast %add3A_340 : i32 to index
      %get3A_342 = tpu.vector_load %arg15[%get3A_341] {strides = array<i32>} : memref<8704xf32, #tpu.memory_space<vmem>>, vector<16xf32>,
      %swap3A_343 = arith.index_cast %scan3A_70 : i32 to index
      %swap3A_344 = arith.constant 384 : index
      %swap3A_345 = tpu.vector_load %arg16[%swap3A_343, %swap3A_344] {strides = array<i32>} : memref<16x512xf32, #tpu.memory_space<vmem>>, vector<16xf32>,
      tpu.vector_store %arg16[%swap3A_343, %swap3A_344], %get3A_342 {strides = array<i32>} : memref<16x512xf32, #tpu.memory_space<vmem>>, vector<16xf32>,
      %mul3A_346 = arith.constant 544 : i32
      %mul3A_347 = arith.muli %scan3A_70, %mul3A_346 : i32
      %add3A_348 = arith.constant 16 : i32
      %add3A_349 = arith.addi %mul3A_347, %add3A_348 : i32
      %add3A_350 = arith.constant 400 : i32
      %add3A_351 = arith.addi %add3A_349, %add3A_350 : i32
      %get3A_352 = arith.index_cast %add3A_351 : i32 to index
      %get3A_353 = tpu.vector_load %arg15[%get3A_352] {strides = array<i32>} : memref<8704xf32, #tpu.memory_space<vmem>>, vector<16xf32>,
      %swap3A_354 = arith.index_cast %scan3A_70 : i32 to index
      %swap3A_355 = arith.constant 400 : index
      %swap3A_356 = tpu.vector_load %arg16[%swap3A_354, %swap3A_355] {strides = array<i32>} : memref<16x512xf32, #tpu.memory_space<vmem>>, vector<16xf32>,
      tpu.vector_store %arg16[%swap3A_354, %swap3A_355], %get3A_353 {strides = array<i32>} : memref<16x512xf32, #tpu.memory_space<vmem>>, vector<16xf32>,
      %mul3A_357 = arith.constant 544 : i32
      %mul3A_358 = arith.muli %scan3A_70, %mul3A_357 : i32
      %add3A_359 = arith.constant 16 : i32
      %add3A_360 = arith.addi %mul3A_358, %add3A_359 : i32
      %add3A_361 = arith.constant 416 : i32
      %add3A_362 = arith.addi %add3A_360, %add3A_361 : i32
      %get3A_363 = arith.index_cast %add3A_362 : i32 to index
      %get3A_364 = tpu.vector_load %arg15[%get3A_363] {strides = array<i32>} : memref<8704xf32, #tpu.memory_space<vmem>>, vector<16xf32>,
      %swap3A_365 = arith.index_cast %scan3A_70 : i32 to index
      %swap3A_366 = arith.constant 416 : index
      %swap3A_367 = tpu.vector_load %arg16[%swap3A_365, %swap3A_366] {strides = array<i32>} : memref<16x512xf32, #tpu.memory_space<vmem>>, vector<16xf32>,
      tpu.vector_store %arg16[%swap3A_365, %swap3A_366], %get3A_364 {strides = array<i32>} : memref<16x512xf32, #tpu.memory_space<vmem>>, vector<16xf32>,
      %mul3A_368 = arith.constant 544 : i32
      %mul3A_369 = arith.muli %scan3A_70, %mul3A_368 : i32
      %add3A_370 = arith.constant 16 : i32
      %add3A_371 = arith.addi %mul3A_369, %add3A_370 : i32
      %add3A_372 = arith.constant 432 : i32
      %add3A_373 = arith.addi %add3A_371, %add3A_372 : i32
      %get3A_374 = arith.index_cast %add3A_373 : i32 to index
      %get3A_375 = tpu.vector_load %arg15[%get3A_374] {strides = array<i32>} : memref<8704xf32, #tpu.memory_space<vmem>>, vector<16xf32>,
      %swap3A_376 = arith.index_cast %scan3A_70 : i32 to index
      %swap3A_377 = arith.constant 432 : index
      %swap3A_378 = tpu.vector_load %arg16[%swap3A_376, %swap3A_377] {strides = array<i32>} : memref<16x512xf32, #tpu.memory_space<vmem>>, vector<16xf32>,
      tpu.vector_store %arg16[%swap3A_376, %swap3A_377], %get3A_375 {strides = array<i32>} : memref<16x512xf32, #tpu.memory_space<vmem>>, vector<16xf32>,
      %mul3A_379 = arith.constant 544 : i32
      %mul3A_380 = arith.muli %scan3A_70, %mul3A_379 : i32
      %add3A_381 = arith.constant 16 : i32
      %add3A_382 = arith.addi %mul3A_380, %add3A_381 : i32
      %add3A_383 = arith.constant 448 : i32
      %add3A_384 = arith.addi %add3A_382, %add3A_383 : i32
      %get3A_385 = arith.index_cast %add3A_384 : i32 to index
      %get3A_386 = tpu.vector_load %arg15[%get3A_385] {strides = array<i32>} : memref<8704xf32, #tpu.memory_space<vmem>>, vector<16xf32>,
      %swap3A_387 = arith.index_cast %scan3A_70 : i32 to index
      %swap3A_388 = arith.constant 448 : index
      %swap3A_389 = tpu.vector_load %arg16[%swap3A_387, %swap3A_388] {strides = array<i32>} : memref<16x512xf32, #tpu.memory_space<vmem>>, vector<16xf32>,
      tpu.vector_store %arg16[%swap3A_387, %swap3A_388], %get3A_386 {strides = array<i32>} : memref<16x512xf32, #tpu.memory_space<vmem>>, vector<16xf32>,
      %mul3A_390 = arith.constant 544 : i32
      %mul3A_391 = arith.muli %scan3A_70, %mul3A_390 : i32
      %add3A_392 = arith.constant 16 : i32
      %add3A_393 = arith.addi %mul3A_391, %add3A_392 : i32
      %add3A_394 = arith.constant 464 : i32
      %add3A_395 = arith.addi %add3A_393, %add3A_394 : i32
      %get3A_396 = arith.index_cast %add3A_395 : i32 to index
      %get3A_397 = tpu.vector_load %arg15[%get3A_396] {strides = array<i32>} : memref<8704xf32, #tpu.memory_space<vmem>>, vector<16xf32>,
      %swap3A_398 = arith.index_cast %scan3A_70 : i32 to index
      %swap3A_399 = arith.constant 464 : index
      %swap3A_400 = tpu.vector_load %arg16[%swap3A_398, %swap3A_399] {strides = array<i32>} : memref<16x512xf32, #tpu.memory_space<vmem>>, vector<16xf32>,
      tpu.vector_store %arg16[%swap3A_398, %swap3A_399], %get3A_397 {strides = array<i32>} : memref<16x512xf32, #tpu.memory_space<vmem>>, vector<16xf32>,
      %mul3A_401 = arith.constant 544 : i32
      %mul3A_402 = arith.muli %scan3A_70, %mul3A_401 : i32
      %add3A_403 = arith.constant 16 : i32
      %add3A_404 = arith.addi %mul3A_402, %add3A_403 : i32
      %add3A_405 = arith.constant 480 : i32
      %add3A_406 = arith.addi %add3A_404, %add3A_405 : i32
      %get3A_407 = arith.index_cast %add3A_406 : i32 to index
      %get3A_408 = tpu.vector_load %arg15[%get3A_407] {strides = array<i32>} : memref<8704xf32, #tpu.memory_space<vmem>>, vector<16xf32>,
      %swap3A_409 = arith.index_cast %scan3A_70 : i32 to index
      %swap3A_410 = arith.constant 480 : index
      %swap3A_411 = tpu.vector_load %arg16[%swap3A_409, %swap3A_410] {strides = array<i32>} : memref<16x512xf32, #tpu.memory_space<vmem>>, vector<16xf32>,
      tpu.vector_store %arg16[%swap3A_409, %swap3A_410], %get3A_408 {strides = array<i32>} : memref<16x512xf32, #tpu.memory_space<vmem>>, vector<16xf32>,
      %mul3A_412 = arith.constant 544 : i32
      %mul3A_413 = arith.muli %scan3A_70, %mul3A_412 : i32
      %add3A_414 = arith.constant 16 : i32
      %add3A_415 = arith.addi %mul3A_413, %add3A_414 : i32
      %add3A_416 = arith.constant 496 : i32
      %add3A_417 = arith.addi %add3A_415, %add3A_416 : i32
      %get3A_418 = arith.index_cast %add3A_417 : i32 to index
      %get3A_419 = tpu.vector_load %arg15[%get3A_418] {strides = array<i32>} : memref<8704xf32, #tpu.memory_space<vmem>>, vector<16xf32>,
      %swap3A_420 = arith.index_cast %scan3A_70 : i32 to index
      %swap3A_421 = arith.constant 496 : index
      %swap3A_422 = tpu.vector_load %arg16[%swap3A_420, %swap3A_421] {strides = array<i32>} : memref<16x512xf32, #tpu.memory_space<vmem>>, vector<16xf32>,
      tpu.vector_store %arg16[%swap3A_420, %swap3A_421], %get3A_419 {strides = array<i32>} : memref<16x512xf32, #tpu.memory_space<vmem>>, vector<16xf32>,
      %scan3A_423 = arith.constant 0 : i32
      scf.yield %scan3A_423 : i32
    }
    %scan3A_69 = arith.constant 16 : i32
    "tpu.region"() ({
      %run_scoped3A = tpu.sem_alloc : memref<!tpu.dma_semaphore, #tpu.memory_space<semaphore_mem>>
      %dma_start3A = arith.constant 0 : i32
      %dma_start3A_70 = tpu.memref_slice %arg7[%mul3A_2, %dma_start3A] : memref<512x512xf32, #tpu.memory_space<hbm>> -> memref<16x512xf32, #tpu.memory_space<hbm>>
      %dma_start3A_71 = arith.constant 0 : i32
      %dma_start3A_72 = tpu.memref_slice %arg7[%mul3A_2, %dma_start3A_71] : memref<512x512xf32, #tpu.memory_space<hbm>> -> memref<16x512xf32, #tpu.memory_space<hbm>>
      tpu.enqueue_dma source(%arg16 : memref<16x512xf32, #tpu.memory_space<vmem>>) target(%dma_start3A_72 : memref<16x512xf32, #tpu.memory_space<hbm>>) target_semaphore(%run_scoped3A : memref<!tpu.dma_semaphore, #tpu.memory_space<semaphore_mem>>)
      %dma_wait3A = arith.constant 0 : i32
      %dma_wait3A_73 = tpu.memref_slice %arg7[%mul3A_2, %dma_wait3A] : memref<512x512xf32, #tpu.memory_space<hbm>> -> memref<16x512xf32, #tpu.memory_space<hbm>>
      %dma_wait3A_74 = arith.constant 0 : i32
      %dma_wait3A_75 = tpu.memref_slice %arg7[%mul3A_2, %dma_wait3A_74] : memref<512x512xf32, #tpu.memory_space<hbm>> -> memref<16x512xf32, #tpu.memory_space<hbm>>
      tpu.wait_dma2 semaphore(%run_scoped3A : memref<!tpu.dma_semaphore, #tpu.memory_space<semaphore_mem>>) src(%arg16 : memref<16x512xf32, #tpu.memory_space<vmem>>) dst(%dma_wait3A_75 : memref<16x512xf32, #tpu.memory_space<hbm>>)
      tpu.yield
    }) : () -> ()
    return
  }
}

module attributes {stable_mosaic.version = 14 : i64} {
  func.func @_image_kernel(%arg0: i32, %arg1: memref<2048xf32, #tpu.memory_space<vmem>>, %arg2: memref<2048xf32, #tpu.memory_space<vmem>>, %arg3: memref<2048xf32, #tpu.memory_space<vmem>>, %arg4: memref<2048xf32, #tpu.memory_space<vmem>>, %arg5: memref<1x1xf32, #tpu.memory_space<smem>>, %arg6: memref<512x512xf32, #tpu.memory_space<vmem>>) attributes {dimension_semantics = [#tpu.dimension_semantics<arbitrary>], iteration_bounds = array<i64: 4>, scalar_prefetch = 0 : i64, scratch_operands = 0 : i64, tpu.core_type = #tpu.core_type<tc>, window_params = [{transform_indices = @transform_0, window_bounds = array<i64: 2048>}, {transform_indices = @transform_1, window_bounds = array<i64: 2048>}, {transform_indices = @transform_2, window_bounds = array<i64: 2048>}, {transform_indices = @transform_3, window_bounds = array<i64: 2048>}, {transform_indices = @transform_4, window_bounds = array<i64: 1, 1>}, {pipeline_mode = #tpu.pipeline_mode<synchronous>, transform_indices = @transform_5, window_bounds = array<i64: 512, 512>}]} {
    %get3A = arith.constant 0 : index
    %get3A_0 = vector.load %arg1[%get3A] : memref<2048xf32, #tpu.memory_space<vmem>>, vector<2048xf32>
    %get3A_1 = arith.constant 0 : index
    %get3A_2 = vector.load %arg2[%get3A_1] : memref<2048xf32, #tpu.memory_space<vmem>>, vector<2048xf32>
    %get3A_3 = arith.constant 0 : index
    %get3A_4 = vector.load %arg3[%get3A_3] : memref<2048xf32, #tpu.memory_space<vmem>>, vector<2048xf32>
    %get3A_5 = arith.constant 0 : index
    %get3A_6 = vector.load %arg4[%get3A_5] : memref<2048xf32, #tpu.memory_space<vmem>>, vector<2048xf32>
    %sqrt3A = arith.constant 0.72134751 : f32
    %sqrt3A_7 = math.sqrt %sqrt3A : f32
    %div3A = vector.broadcast %sqrt3A_7 : f32 to vector<2048xf32>
    %div3A_8 = arith.divf %div3A, %get3A_6 : vector<2048xf32>
    %iota3A = tpu.iota {dimensions = array<i32: 1>} : vector<2048x512xi32>
    %convert_element_type3A = arith.sitofp %iota3A : vector<2048x512xi32> to vector<2048x512xf32>
    %broadcast_in_dim3A = vector.shape_cast %div3A_8 : vector<2048xf32> to vector<2048x1xf32>
    %mul3A = vector.broadcast %broadcast_in_dim3A : vector<2048x1xf32> to vector<2048x512xf32>
    %mul3A_9 = arith.mulf %convert_element_type3A, %mul3A : vector<2048x512xf32>
    %mul3A_10 = arith.mulf %get3A_0, %div3A_8 : vector<2048xf32>
    %broadcast_in_dim3A_11 = vector.shape_cast %mul3A_10 : vector<2048xf32> to vector<2048x1xf32>
    %sub3A = vector.broadcast %broadcast_in_dim3A_11 : vector<2048x1xf32> to vector<2048x512xf32>
    %sub3A_12 = arith.subf %mul3A_9, %sub3A : vector<2048x512xf32>
    %mul3A_13 = arith.mulf %sub3A_12, %sub3A_12 : vector<2048x512xf32>
    %neg3A = arith.constant 0.000000e+00 : f32
    %neg3A_14 = vector.broadcast %neg3A : f32 to vector<2048x512xf32>
    %neg3A_15 = arith.subf %neg3A_14, %mul3A_13 : vector<2048x512xf32>
    %exp23A = math.exp2 %neg3A_15 : vector<2048x512xf32>
    %broadcast_in_dim3A_16 = vector.shape_cast %div3A_8 : vector<2048xf32> to vector<2048x1xf32>
    %mul3A_17 = vector.broadcast %broadcast_in_dim3A_16 : vector<2048x1xf32> to vector<2048x512xf32>
    %mul3A_18 = arith.mulf %convert_element_type3A, %mul3A_17 : vector<2048x512xf32>
    %mul3A_19 = arith.mulf %get3A_2, %div3A_8 : vector<2048xf32>
    %broadcast_in_dim3A_20 = vector.shape_cast %mul3A_19 : vector<2048xf32> to vector<2048x1xf32>
    %sub3A_21 = vector.broadcast %broadcast_in_dim3A_20 : vector<2048x1xf32> to vector<2048x512xf32>
    %sub3A_22 = arith.subf %mul3A_18, %sub3A_21 : vector<2048x512xf32>
    %broadcast_in_dim3A_23 = vector.shape_cast %get3A_4 : vector<2048xf32> to vector<2048x1xf32>
    %mul3A_24 = arith.mulf %sub3A_22, %sub3A_22 : vector<2048x512xf32>
    %neg3A_25 = arith.constant 0.000000e+00 : f32
    %neg3A_26 = vector.broadcast %neg3A_25 : f32 to vector<2048x512xf32>
    %neg3A_27 = arith.subf %neg3A_26, %mul3A_24 : vector<2048x512xf32>
    %exp23A_28 = math.exp2 %neg3A_27 : vector<2048x512xf32>
    %mul3A_29 = vector.broadcast %broadcast_in_dim3A_23 : vector<2048x1xf32> to vector<2048x512xf32>
    %mul3A_30 = arith.mulf %mul3A_29, %exp23A_28 : vector<2048x512xf32>
    %convert_element_type3A_31 = arith.truncf %mul3A_30 : vector<2048x512xf32> to vector<2048x512xbf16>
    %convert_element_type3A_32 = arith.truncf %exp23A : vector<2048x512xf32> to vector<2048x512xbf16>
    %dot_general3A = arith.constant dense<0.000000e+00> : vector<512x512xf32>
    %dot_general3A_33 = tpu.matmul %convert_element_type3A_31, %convert_element_type3A_32, %dot_general3A {dimension_numbers = #tpu.dot_dimension_numbers<[0], [0], [1], [1], [0, 1, 1, 1], [], []>, transpose_lhs_hint = false} : vector<2048x512xbf16>, vector<2048x512xbf16>, vector<512x512xf32> -> vector<512x512xf32>
    %eq3A = arith.constant 0 : i32
    %eq3A_34 = arith.cmpi eq, %arg0, %eq3A : i32
    %convert_element_type3A_35 = arith.extui %eq3A_34 : i1 to i32
    %cond3A = arith.constant 0 : i32
    %cond3A_36 = arith.cmpi ne, %convert_element_type3A_35, %cond3A : i32
    scf.if %cond3A_36 {
      %get3A_42 = arith.constant 0 : index
      %get3A_43 = arith.constant 0 : index
      %get3A_44 = memref.load %arg5[%get3A_42, %get3A_43] : memref<1x1xf32, #tpu.memory_space<smem>>
      %broadcast_in_dim3A_45 = vector.broadcast %get3A_44 : f32 to vector<512x512xf32>
      %swap3A_46 = arith.constant 0 : index
      %swap3A_47 = arith.constant 0 : index
      %swap3A_48 = vector.load %arg6[%swap3A_46, %swap3A_47] : memref<512x512xf32, #tpu.memory_space<vmem>>, vector<512x512xf32>
      tpu.vector_store %arg6[%swap3A_46, %swap3A_47], %broadcast_in_dim3A_45 {strides = array<i32>} : memref<512x512xf32, #tpu.memory_space<vmem>>, vector<512x512xf32>,
    } else {
    }
    %get3A_37 = arith.constant 0 : index
    %get3A_38 = arith.constant 0 : index
    %get3A_39 = vector.load %arg6[%get3A_37, %get3A_38] : memref<512x512xf32, #tpu.memory_space<vmem>>, vector<512x512xf32>
    %add3A = arith.addf %get3A_39, %dot_general3A_33 : vector<512x512xf32>
    %swap3A = arith.constant 0 : index
    %swap3A_40 = arith.constant 0 : index
    %swap3A_41 = vector.load %arg6[%swap3A, %swap3A_40] : memref<512x512xf32, #tpu.memory_space<vmem>>, vector<512x512xf32>
    tpu.vector_store %arg6[%swap3A, %swap3A_40], %add3A {strides = array<i32>} : memref<512x512xf32, #tpu.memory_space<vmem>>, vector<512x512xf32>,
    return
  }
  func.func @transform_0(%arg0: i32) -> i32 {
    %c0_i32 = arith.constant 0 : i32
    return %arg0 : i32
  }
  func.func @transform_1(%arg0: i32) -> i32 {
    %c0_i32 = arith.constant 0 : i32
    return %arg0 : i32
  }
  func.func @transform_2(%arg0: i32) -> i32 {
    %c0_i32 = arith.constant 0 : i32
    return %arg0 : i32
  }
  func.func @transform_3(%arg0: i32) -> i32 {
    %c0_i32 = arith.constant 0 : i32
    return %arg0 : i32
  }
  func.func @transform_4(%arg0: i32) -> (i32, i32) {
    %c0_i32 = arith.constant 0 : i32
    %c0_i32_0 = arith.constant 0 : i32
    %c0_i32_1 = arith.constant 0 : i32
    return %c0_i32, %c0_i32_0 : i32, i32
  }
  func.func @transform_5(%arg0: i32) -> (i32, i32) {
    %c0_i32 = arith.constant 0 : i32
    %c0_i32_0 = arith.constant 0 : i32
    %c0_i32_1 = arith.constant 0 : i32
    return %c0_i32, %c0_i32_0 : i32, i32
  }
}

</mosaic_0001>

<sc_bundles>
// kernel: kernel.4.cloned.1.call-start
scs
__scs_entry_jumppad:
0x0: {  	(pc) =	sbr.rel $0x88, $3  }
0x1: {  	(tag) =	ssettag $0x0;
	lr =	simm.s32 $0x1  }
0x2: {  	[smem:$0x3F9C] =	sst lr;
	_ =	strace $0xD0000000  }
0x3: {  	_ = 	snop  }
0x4: {  	_ = 	snop  }
0x5: {  	_ = 	snop  }
0x6: {  	_ = 	snop  }
0x7: {  	_ = 	snop  }
__scs_overlays_trampoline_lowered:
0x8: {  	[smem:$0x3FAB] =	sst s0  }
0x9: {  	[smem:$0x3FAC] =	sst s1  }
0xa: {  	[smem:$0x3FAD] =	sst s2  }
0xb: {  	[smem:$0x3FAE] =	sst s3  }
0xc: {  	[smem:$0x3FAF] =	sst s4  }
0xd: {  	[smem:$0x3FB0] =	sst s5  }
0xe: {  	[smem:$0x3FB1] =	sst s6  }
0xf: {  	[smem:$0x3FB2] =	sst s7  }
0x10: {  	[smem:$0x3FB3] =	sst s8  }
0x11: {  	[smem:$0x3FB4] =	sst s9;
	s0 =	simm.s32 @!p0 $0x0  }
0x12: {  	s1 =	sld [smem:$0x3F9A];
	s0 =	simm.s32 @p0 $0x1  }
0x13: {  	[smem:$0x3FB5] =	sst s0;
	s0 =	simm.s32 @!p1 $0x0  }
0x14: {  	s2 =	sld [smem:$0x3F99];
	s0 =	simm.s32 @p1 $0x1  }
0x15: {  	[smem:$0x3FB6] =	sst s0;
	s0 =	simm.s32 @!p2 $0x0  }
0x16: {  	s3 =	sld [smem:$0x3FDB];
	s0 =	simm.s32 @p2 $0x1  }
0x17: {  	s4 =	simm.s32 $0x1BF5;
	[smem:$0x3FB8] =	sst s0  }
0x18: {  	s0 =	sld [smem:$0x3F9B];
	_ =	swait.ge [sflag:s4], $0x0  }
0x19: {  	s7 =	sld [smem:$0x3F9C]  }
0x1a: {  	s8 =	sadd.s32 $0xFFFFE003, lr  }
0x1b: {  	s9 =	sadd.s32 $0xFFFFFEF7, lr;
	s5 =	simm.s32 $0xFFFFFFFF;
	p2 =	slt.u32 s8, $0xFFFFF086  }
0x1c: {  	p1 =	slt.u32 s9, $0xF7A;
	s5 =	simm.s32 @!p2 $0x0  }
0x1d: {  	s5 =	simm.s32 @p1 $0x1;
	p0 =	seq.s32 s7, s2  }
0x1e: {  	s7 =	smul.u32 @!p0 $0xF7A, s2;
	p2 =	seq.s32 @!p0 s5, $0x0  }
0x1f: {  	s9 =	smul.u32 $0xF7A, s1;
	s8 =	simm.s32 @!p0 $0x1BF5;
	p2 =	por !p2, p0  }
0x20: {  	[sflag:s8] =	ssyncset.s32 @!p0 $0xFFFFF086;
	s6 =	sadd.s32 @!p0 s3, s7;
	s7 =	simm.s32 @!p0 $0x108  }
0x21: {  	s3 =	sadd.s32 s3, s9;
	s6 =	sadd.s32 @!p0 $0x88, s6;
	s7 =	simm.s32 @p2 $0x1082  }
0x22: {  	[simem:s7], [sflag:s8] =	dma.local @!p0 [hbm:s6], $0xF7A  }
0x23: {  	s9 =	sor.u32 $0xD0000000, s2;
	s6 =	simm.s32 $0x108;
	_ =	swait.ge @!p0 [sflag:s8], $0x0  }
0x24: {  	s3 =	sadd.s32 $0x88, s3;
	s6 =	simm.s32 @!p1 $0x1082;
	[sflag:s4] =	ssyncset.s32 $0xFFFFF086  }
0x25: {  	[simem:s6], [sflag:s4] =	dma.local [hbm:s3], $0xF7A  }
0x26: {  	[smem:$0x3F9C] =	sst s1;
	(tag) =	ssettag s2;
	_ =	strace s9  }
0x27: {  	s1 =	sld [smem:$0x3FAC]  }
0x28: {  	s2 =	sld [smem:$0x3FAD]  }
0x29: {  	s4 =	sld [smem:$0x3FAF]  }
0x2a: {  	p0 =	seq.s32 s5, $0x0;
	s5 =	sld [smem:$0x3FB0]  }
0x2b: {  	s6 =	sld [smem:$0x3FB1]  }
0x2c: {  	s7 =	sld [smem:$0x3FB2]  }
0x2d: {  	s3 =	simm.s32 $0x108;
	s8 =	sld [smem:$0x3FB3]  }
0x2e: {  	s3 =	simm.s32 @!p0 $0x1082;
	s9 =	sld [smem:$0x3FB4]  }
0x2f: {  	lr =	sadd.s32 s0, s3;
	s0 =	sld [smem:$0x3FAB]  }
0x30: {  	s3 =	sld [smem:$0x3FAE]  }
0x31: {  	[smem:$0x3FB7] =	sst s10  }
0x32: {  	s10 =	sld [smem:$0x3FB5];
	_ =	sdelay $0x3  }
0x33: {  	p0 =	seq.s32 s10, $0x1;
	s10 =	sld [smem:$0x3FB7];
	_ =	sdelay $0x3  }
0x34: {  	[smem:$0x3FB7] =	sst s10  }
0x35: {  	s10 =	sld [smem:$0x3FB6];
	_ =	sdelay $0x3  }
0x36: {  	p1 =	seq.s32 s10, $0x1;
	s10 =	sld [smem:$0x3FB7];
	_ =	sdelay $0x3  }
0x37: {  	[smem:$0x3FB7] =	sst s10  }
0x38: {  	s10 =	sld [smem:$0x3FB8]  }
0x39: {  	_ = 	snop;
	(pc) =	sbr.ind lr, $3  }
0x3a: {  	_ = 	snop  }
0x3b: {  	_ = 	snop  }
0x3c: {  	p2 =	seq.s32 s10, $0x1;
	s10 =	sld [smem:$0x3FB7]  }
0x3d: {  	_ =	shalt  }
0x3e: {  	_ =	shalt  }
0x3f: {  	_ =	shalt  }
0x40: {  	_ =	shalt  }
0x41: {  	_ =	shalt  }
0x42: {  	_ =	shalt  }
0x43: {  	_ =	shalt  }
0x44: {  	_ =	shalt  }
0x45: {  	_ =	shalt  }
0x46: {  	_ =	shalt  }
0x47: {  	_ =	shalt  }
0x48: {  	_ =	shalt  }
0x49: {  	_ =	shalt  }
0x4a: {  	_ =	shalt  }
0x4b: {  	_ =	shalt  }
0x4c: {  	_ =	shalt  }
0x4d: {  	_ =	shalt  }
0x4e: {  	_ =	shalt  }
0x4f: {  	_ =	shalt  }
0x50: {  	_ =	shalt  }
0x51: {  	_ =	shalt  }
0x52: {  	_ =	shalt  }
0x53: {  	_ =	shalt  }
0x54: {  	_ =	shalt  }
0x55: {  	_ =	shalt  }
0x56: {  	_ =	shalt  }
0x57: {  	_ =	shalt  }
0x58: {  	_ =	shalt  }
0x59: {  	_ =	shalt  }
0x5a: {  	_ =	shalt  }
0x5b: {  	_ =	shalt  }
0x5c: {  	_ =	shalt  }
0x5d: {  	_ =	shalt  }
0x5e: {  	_ =	shalt  }
0x5f: {  	_ =	shalt  }
0x60: {  	_ =	shalt  }
0x61: {  	_ =	shalt  }
0x62: {  	_ =	shalt  }
0x63: {  	_ =	shalt  }
0x64: {  	_ =	shalt  }
0x65: {  	_ =	shalt  }
0x66: {  	_ =	shalt  }
0x67: {  	_ =	shalt  }
0x68: {  	_ =	shalt  }
0x69: {  	_ =	shalt  }
0x6a: {  	_ =	shalt  }
0x6b: {  	_ =	shalt  }
0x6c: {  	_ =	shalt  }
0x6d: {  	_ =	shalt  }
0x6e: {  	_ =	shalt  }
0x6f: {  	_ =	shalt  }
0x70: {  	_ =	shalt  }
0x71: {  	_ =	shalt  }
0x72: {  	_ =	shalt  }
0x73: {  	_ =	shalt  }
0x74: {  	_ =	shalt  }
0x75: {  	_ =	shalt  }
0x76: {  	_ =	shalt  }
0x77: {  	_ =	shalt  }
0x78: {  	_ =	shalt  }
0x79: {  	_ =	shalt  }
0x7a: {  	_ =	shalt  }
0x7b: {  	_ =	shalt  }
0x7c: {  	_ =	shalt  }
0x7d: {  	_ =	shalt  }
0x7e: {  	_ =	shalt  }
0x7f: {  	_ =	shalt  }
0x80: {  	_ =	shalt  }
0x81: {  	_ =	shalt  }
0x82: {  	_ =	shalt  }
0x83: {  	_ =	shalt  }
0x84: {  	_ =	shalt  }
0x85: {  	_ =	shalt  }
0x86: {  	_ =	shalt  }
0x87: {  	_ =	shalt  }
.Lfunc_end0:
.L_simem_size_0:
called_computation_lowered:
.L_overlay_start_0:
0x88: {  	s2 =	sld [smem:$0x3FD9]  }
0x89: {  	s3 =	sld [smem:$0x3FFE];
	_ =	sdelay $0x1  }
0x8a: {  	s1 =	srdreg.scid  }
0x8b: {  	s0 =	sand.u32 $0x1, s1  }
0x8c: {  	s17 =	sshll.u32 s0, $0xA;
	s2 =	sadd.s32 s3, s2  }
0x8d: {  	s2 =	sadd.s32 s2, s17  }
0x8e: {  	[smem:$0x3FC3] =	sst s2  }
0x8f: {  	_ = 	snop  }
0x90: {  	s2 =	sld [smem:$0x3FD0];
	(tm) =	ssettm $0x1  }
0x91: {  	s18 =	sld [smem:$0x3FFB];
	_ =	sdelay $0x3  }
0x92: {  	_ =	strace s18  }
0x93: {  	s3 =	sld [smem:$0x3FFC];
	_ =	sdelay $0x3  }
0x94: {  	_ =	strace s3  }
0x95: {  	s3 =	sld [smem:$0x3FFD];
	_ =	sdelay $0x3  }
0x96: {  	_ =	strace s3  }
0x97: {  	_ =	strace $0x8FFFFFFF  }
0x98: {  	s19 =	sld [smem:$0x3FDB];
	_ =	sdelay $0x1  }
0x99: {  	s4 =	simm.s32 $_scs_section_size  }
0x9a: {  	s5 =	simm.s32 $_size__tile_overlayer_lowered;
	s6 =	simm.s32 $_tile_overlayer_lowered  }
0x9b: {  	s22 =	simm.s32 $0x1BFF;
	s21 =	sshll.u32 s6, $0x1;
	s3 =	sadd.s32 s4, s19  }
0x9c: {  	s7 =	simm.s32 $0x0;
	s20 =	sshll.u32 s5, $0x1;
	s5 =	sadd.s32 s21, s3  }
0x9d: {  	[timem:s7], [sflag:s22] =	dma.local [hbm:s5], s20  }
0x9e: {  	_ =	swait.ge [sflag:s22], s20  }
0x9f: {  	s4 =	ssub.s32 $0x0, s20;
	[sflag:s22] =	ssyncset.done $0x0  }
0xa0: {  	[sflag:s22] =	ssyncadd.s32 s4;
	_ =	sdelay $0x1  }
0xa1: {  	s23 =	simm.s32 $0x1B8B  }
0xa2: {  	_ =	swait.ge [sflag:s23], $0x1  }
0xa3: {  	[sflag:s23] =	ssyncset.done $0x0  }
0xa4: {  	s25 =	simm.s32 $0x1B8E;
	s24 =	sld [smem:$0x3FFE];
	[sflag:s23] =	ssyncadd.s32 $0xFFFFFFFF  }
0xa5: {  	s26 =	simm.s32 $execute0_lowered;
	[smem:$0x3FD2] =	sst s25  }
0xa6: {  	s5 =	sshll.u32 s26, $0x1;
	_ =	strace $0x80000046;
	[dreg:$0x1] =	wrdreg $0xFFFFFFFF  }
0xa7: {  	s28 =	simm.s32 $_size_execute0_lowered;
	s3 =	sadd.s32 s3, s5;
	[dreg:$0x0] =	wrdreg $0x0  }
0xa8: {  	s5 =	sshll.u32 s28, $0x1;
	[dreg:$0x2] =	wrdreg s3  }
0xa9: {  	[dreg:$0x3] =	wrdreg s5  }
0xaa: {  	[dreg:$0x4] =	wrdreg $0xC0  }
0xab: {  	_ =	task [dreg:s7], $0x5FFFF  }
0xac: {  	[dreg:$0x1] =	wrdreg $0xFFFFFFFF  }
0xad: {  	[dreg:$0x0] =	wrdreg $0x60  }
0xae: {  	[dreg:$0x2] =	wrdreg s24  }
0xaf: {  	[dreg:$0x3] =	wrdreg s2  }
0xb0: {  	[dreg:$0x4] =	wrdreg $0x9  }
0xb1: {  	_ =	task.clear_ibuf [dreg:s7], $0x5FFFF;
	_ =	strace $0x90000046  }
0xb2: {  	s29 =	simm.s32 $0x9;
	_ =	strace $0x80000048  }
0xb3: {  	_ =	swait.ge [sflag:s29], $0x1  }
0xb4: {  	[sflag:s29] =	ssyncadd.s32 $0xFFFFFFFF  }
0xb5: {  	_ =	strace $0x90000048  }
0xb6: {  	_ =	sfence  }
0xb7: {  	s30 =	sld [smem:$0x0];
	_ =	sdelay $0x2  }
0xb8: {  	s31 =	sshll.u32 s1, $0xD;
	s1 =	sshrl.u32 s1, $0x2  }
0xb9: {  	s3 =	sand.u32 $0x4000, s31;
	s1 =	sadd.s32 s1, s30  }
0xba: {  	s0 =	sor.u32 s3, s0;
	s1 =	sshll.u32 s1, $0x11  }
0xbb: {  	s0 =	sor.u32 s1, s0  }
0xbc: {  	s0 =	sadd.s32 $0x8F2B, s0  }
0xbd: {  	[sflag:s0] =	ssyncadd.remote.s32 $0x1  }
0xbe: {  	_ =	sfence.sel $0xFFFF  }
0xbf: {  	[dreg:$0x0] =	wrdreg $0xFFFFFFFF;
	(pc) =	sbr.abs _section_cstart, $3  }
0xc0: {  	[dreg:$0x1] =	wrdreg $0xFFFFFFFF  }
0xc1: {  	_ =	task.clear_ibuf [dreg:s7], $0x2FFFF;
	_ =	strace $0x9FFFFFFF  }
0xc2: {  	(tm) =	ssettm $0x7FFFFFFF  }
0xc3: {  	_ =	shalt  }
tec
execute0_lowered:
.L_overlay_start_1:
0x0: {  	(tag) =	ssettag $0x1  }
0x1: {  	s7 =	rddreg [dreg:$0x0]  }
0x2: {  	s8 =	rddreg [dreg:$0x1]  }
0x3: {  	s0 =	rddreg [dreg:$0x2]  }
0x4: {  	s1 =	simm.s32 $0x0;
	s6 =	srdreg.scid;
	s2 =	stileid.u32  }
0x5: {  	[smem:$0x7FF] =	sst s1;
	s3 =	sadd.s32 $0x1600, s7;
	s4 =	sadd.s32 $0x1400, s7  }
0x6: {  	s5 =	sadd.s32 $0x1200, s7;
	s6 =	sand.u32 $0x1, s6;
	s10 =	sshll.u32 s2, $0x5  }
0x7: {  	_ =	strace $0x80000047;
	s9 =	ssub.s32 $0x2, s6;
	s11 =	sshll.u32 s6, $0x4  }
0x8: {  	s6 =	sadd.s32 $0x1000, s7;
	s12 =	sshrl.u32 s9, $0x1;
	s10 =	sor.u32 s11, s10  }
0x9: {  	s7 =	sadd.s32 $0x1800, s7;
	s9 =	ssub.s32 s9, s12;
	s11 =	sadd.s32 $0xFFFFFFF4, s10  }
0xa: {  	s31 =	sadd.s32 $0x1B, s10;
	s13 =	scvt.s32.f32 s10;
	s14 =	sor.u32 $0x1, s10  }
0xb: {  	s15 =	sor.u32 $0x2, s10;
	s16 =	sor.u32 $0x3, s10;
	s17 =	sor.u32 $0x4, s10  }
0xc: {  	s18 =	sor.u32 $0x5, s10;
	s19 =	sor.u32 $0x6, s10;
	s20 =	sor.u32 $0x7, s10  }
0xd: {  	s21 =	sor.u32 $0x8, s10;
	s22 =	sor.u32 $0x9, s10;
	s23 =	sor.u32 $0xA, s10  }
0xe: {  	s24 =	sor.u32 $0xB, s10;
	s14 =	scvt.s32.f32 s14;
	s15 =	scvt.s32.f32 s15  }
0xf: {  	s25 =	sor.u32 $0xC, s10;
	s16 =	scvt.s32.f32 s16;
	s17 =	scvt.s32.f32 s17  }
0x10: {  	s26 =	sor.u32 $0xD, s10;
	s18 =	scvt.s32.f32 s18;
	s19 =	scvt.s32.f32 s19  }
0x11: {  	s29 =	sor.u32 $0xE, s10;
	s20 =	scvt.s32.f32 s20;
	s21 =	scvt.s32.f32 s21  }
0x12: {  	v18 =	vimm.s32 $0x71F;
	v19 =	vimm.s32 $0x0;
	v20 =	vlaneseq.u32;
	s30 =	sor.u32 $0xF, s10;
	s22 =	scvt.s32.f32 s22;
	s23 =	scvt.s32.f32 s23  }
0x13: {  	s10 =	sshll.u32 s10, $0x6;
	v0 =	vmov s11;
	v1 =	vmov s31;
	s24 =	scvt.s32.f32 s24;
	s25 =	scvt.s32.f32 s25;
	v2 =	vmov s13  }
0x14: {  	s12 =	simm.s32 $0xF00;
	s28 =	scvt.s32.f32 s26;
	s31 =	scvt.s32.f32 s29;
	v3 =	vmov s14;
	v4 =	vmov s15;
	v5 =	vmov s16  }
0x15: {  	s8 =	sadd.s32 s8, s10;
	s9 =	smax.u32 s9, $0x1;
	s10 =	simm.s32 $0x1;
	v6 =	vmov s17;
	v7 =	vmov s18;
	v8 =	vmov s19  }
0x16: {  	s11 =	simm.s32 $0x780;
	s13 =	simm.s32 $0x1680;
	s15 =	scvt.s32.f32 s30;
	v9 =	vmov s20;
	v10 =	vmov s21;
	v11 =	vmov s22  }
0x17: {  	v12 =	vmov s23;
	v13 =	vmov s24;
	v14 =	vmov s25;
	s14 =	simm.s32 $0x1E00;
	s16 =	simm.s32 $0x2600;
	s17 =	simm.s32 $0x2700  }
0x18: {  	v15 =	vmov s28;
	v16 =	vmov s31;
	s18 =	simm.s32 $0x4900;
	s19 =	simm.s32 $0x0;
	v17 =	vmov s15;
	s15 =	simm.s32 $0x1E80  }
.LBB2_1:
0x19: {  	[tilespmem:s1], [sflag:$0x1] =	stream.linear.gather [hbm4b:s3+s1], $0x780, $0x38;
	[tilespmem:$0x6900] =	vst v63  }
0x1a: {  	_ =	swait.ge [sflag:s10], $0x780  }
0x1b: {  	[sflag:s10] =	ssyncset.done $0x0  }
0x1c: {  	[sflag:s10] =	ssyncadd.s32 $0xFFFFF880  }
0x1d: {  	[tilespmem:s11], [sflag:$0x1] =	stream.linear.gather [hbm4b:s4+s1], $0x780, $0x38;
	[tilespmem:$0x6900] =	vst v63  }
0x1e: {  	_ =	swait.ge [sflag:s10], $0x780  }
0x1f: {  	[sflag:s10] =	ssyncset.done $0x0  }
0x20: {  	[sflag:s10] =	ssyncadd.s32 $0xFFFFF880  }
0x21: {  	[tilespmem:s12], [sflag:$0x1] =	stream.linear.gather [hbm4b:s5+s1], $0x780, $0x38;
	[tilespmem:$0x6900] =	vst v63  }
0x22: {  	_ =	swait.ge [sflag:s10], $0x780  }
0x23: {  	[sflag:s10] =	ssyncset.done $0x0  }
0x24: {  	[sflag:s10] =	ssyncadd.s32 $0xFFFFF880  }
0x25: {  	[tilespmem:s13], [sflag:$0x1] =	stream.linear.gather [hbm4b:s6+s1], $0x780, $0x38;
	[tilespmem:$0x6900] =	vst v63  }
0x26: {  	_ =	swait.ge [sflag:s10], $0x780  }
0x27: {  	[sflag:s10] =	ssyncset.done $0x0  }
0x28: {  	[sflag:s10] =	ssyncadd.s32 $0xFFFFF880  }
0x29: {  	[tilespmem:s14], [sflag:$0x1] =	stream.linear.gather [hbm4b:s7+s1], $0x80, $0x38;
	[tilespmem:$0x6900] =	vst v63  }
0x2a: {  	_ =	swait.ge [sflag:s10], $0x80  }
0x2b: {  	[sflag:s10] =	ssyncset.done $0x0  }
0x2c: {  	[sflag:s10] =	ssyncadd.s32 $0xFFFFFF80  }
0x2d: {  	s20 =	simm.s32 $0x40;
	s21 =	simm.s32 $0x0;
	v21 =	vld [tilespmem:$0x1E00]  }
.LBB2_2:
0x2e: {  	p0 =	sne.s32 s20, $0x1C80;
	[tilespmem:s21+$0x1E80] =	vst v18;
	s21 =	smov.u32 s20;
	s20 =	sadd.s32 $0x40, s20  }
.Ltmp0:
0x2f: {  	(pc) =	sbr.rel @p0 .LBB2_2-.Ltmp0, $2  }
0x30: {  	_ =	sdelay $0x2  }
0x31: {  	s21 =	sshra.s32 s21, $0x2  }
0x32: {  	[tilespmem:s21+$0x1E80] =	vst v18;
	s21 =	simm.s32 $0x0;
	s20 =	simm.s32 $0x0  }
.LBB2_4:
0x33: {  	p0 =	sne.s32 s20, $0x87C0  }
.Ltmp1:
0x34: {  	_ = 	snop;
	(pc) =	sbr.rel @p0 .LBB2_4-.Ltmp1, $3  }
0x35: {  	_ =	sdelay $0x1  }
0x36: {  	s22 =	sshra.s32 s20, $0x2  }
0x37: {  	s20 =	sadd.s32 $0x40, s20;
	[tilespmem:s22+$0x2700] =	vst v21  }
0x38: {  	s20 =	simm.s32 $0x780  }
0x39: {  	v22 =	vimm.s32 $0x0;
	s22 =	simm.s32 $0x10;
	v21 =	vimm.s32 $0x0;
	v23 =	vld [tilespmem:s20+$0x0]  }
.LBB2_6:
0x3a: {  	p0 =	sne.s32 s22, $0x710;
	_ =	sdelay $0x3  }
0x3b: {  	v23 =	vtrunc.f32 v23  }
0x3c: {  	v23 =	vcvt.f32.s32 v23;
	_ =	sdelay $0x1  }
0x3d: {  	vm0 =	vle.s32 v0, v23;
	vm1 =	vge.s32 v1, v23  }
0x3e: {  	vm0 =	vmand vm0, vm1  }
0x3f: {  	v23 =	vsel vm0, $0x1, v19;
	v24 =	vmpcnt.ones.xlane vm0  }
0x40: {  	(xrf0) =	vadd.scan.msk.s32 $0xffff, v23  }
0x41: {  	v22 =	vadd.s32 v22, v24;
	_ =	sdelay $0x4  }
0x42: {  	v23, _, _ =	vpop (xrf0)  }
0x43: {  	v23 =	vadd.s32 v23, v21;
	v21 =	vmov v22  }
0x44: {  	v23 =	vadd.s32 $0xFFFFFFFF, v23;
	_ =	sdelay $0x1  }
.Ltmp2:
0x45: {  	(pc) =	sbr.rel @p0 .LBB2_6-.Ltmp2, $4  }
0x46: {  	_ = 	snop  }
0x47: {  	v24 =	vor.u32 s21, v20;
	s21 =	smov.u32 s22  }
0x48: {  	s20 =	sadd.s32 $0x10, s20;
	[tilespmem:v23+s15+$0x0] =	vst.idx.msk vm0, v24  }
0x49: {  	s22 =	sadd.s32 $0x10, s22;
	v23 =	vld [tilespmem:s20+$0x0]  }
0x4a: {  	_ =	sdelay $0x3  }
0x4b: {  	v23 =	vtrunc.f32 v23  }
0x4c: {  	v23 =	vcvt.f32.s32 v23;
	_ =	sdelay $0x1  }
0x4d: {  	vm0 =	vle.s32 v0, v23;
	vm1 =	vge.s32 v1, v23  }
0x4e: {  	vm0 =	vmand vm0, vm1  }
0x4f: {  	v23 =	vmpcnt.ones.xlane vm0;
	_ =	sdelay $0x1  }
0x50: {  	v22 =	vadd.s32 v22, v23  }
0x51: {  	(v2sf) =	vpush v22, $0x0;
	_ =	sdelay $0xd  }
0x52: {  	v22 =	vsel vm0, $0x1, v19  }
0x53: {  	(xrf0) =	vadd.scan.msk.s32 $0xffff, v22;
	s20 =	spop (v2sf)  }
0x54: {  	s20 =	sadd.s32 $0xF, s20  }
0x55: {  	s22 =	sand.u32 $0xF, s20  }
0x56: {  	s31 =	sshra.s32 s20, $0x1F;
	p1 =	slt.s32 s20, $0x1;
	p0 =	sne.s32 s22, $0x0  }
0x57: {  	s22 =	sshrl.u32 s31, $0x1C;
	p0 =	por !p1, !p0  }
0x58: {  	s20 =	sadd.s32 s22, s20;
	s22 =	simm.s32 $0x1;
	p0 =	por !p0, !p0  }
0x59: {  	v22, _, _ =	vpop (xrf0);
	s20 =	sshra.s32 s20, $0x4;
	s22 =	simm.s32 @!p0 $0x0  }
0x5a: {  	v21 =	vadd.s32 v22, v21;
	s20 =	ssub.s32 s20, s22  }
0x5b: {  	v21 =	vadd.s32 $0xFFFFFFFF, v21;
	p0 =	slt.s32 s20, $0x1  }
.Ltmp3:
0x5c: {  	_ = 	snop;
	(pc) =	sbr.rel @p0 .LBB2_11-.Ltmp3, $3  }
0x5d: {  	_ =	sdelay $0x1  }
0x5e: {  	v22 =	vor.u32 s21, v20  }
0x5f: {  	s21 =	simm.s32 $0x0;
	[tilespmem:v21+s15+$0x0] =	vst.idx.msk vm0, v22;
	s22 =	simm.s32 $0x0  }
.LBB2_8:
0x60: {  	s23 =	sshll.u32 s22, $0x6  }
0x61: {  	s23 =	sshra.s32 s23, $0x2  }
0x62: {  	v33 =	vld [tilespmem:s23+$0x1E80];
	_ =	sdelay $0x7  }
0x63: {  	v21 =	vld.idx.msk [tilespmem:v33+s13+$0x0], $0xffff;
	_ =	sdelay $0x2  }
0x64: {  	v22 =	vld.idx.msk [tilespmem:v33+s21+$0x0], $0xffff;
	_ =	sdelay $0x1  }
0x65: {  	v21 =	vmul.f32 v21, v21;
	_ =	sdelay $0x1  }
0x66: {  	(erf) = vrcp.f32 v21  }
0x67: {  	v21 =	vtrunc.f32 v22  }
0x68: {  	v46 =	vcvt.f32.s32 v21;
	_ =	sdelay $0x1  }
0x69: {  	v21 =	vcvt.s32.f32 v46;
	_ =	sdelay $0x1  }
0x6a: {  	v30 =	vsub.f32 v22, v21;
	_ =	sdelay $0x1  }
0x6b: {  	v21 =	vsub.f32 $-1.200000000e+01, v30  }
0x6c: {  	v22 =	vpop (erf)  }
0x6d: {  	v21 =	vmul.f32 v21, v21;
	v47 =	vmul.f32 $-5.000000000e-01, v22;
	_ =	sdelay $0x1  }
0x6e: {  	v21 =	vmul.f32 v47, v21  }
0x6f: {  	v22 =	vsub.f32 $-1.100000000e+01, v30  }
0x70: {  	v23 =	vsub.f32 $-1.000000000e+01, v30;
	v21 =	vmul.f32 $1.442695020e+00, v21  }
0x71: {  	v24 =	vsub.f32 $-9.000000000e+00, v30;
	v22 =	vmul.f32 v22, v22  }
0x72: {  	(erf) = vpow2.f32 v21;
	v21 =	vmul.f32 v23, v23;
	v23 =	vsub.f32 $-8.000000000e+00, v30  }
0x73: {  	v24 =	vmul.f32 v24, v24;
	v22 =	vmul.f32 v47, v22  }
0x74: {  	v21 =	vmul.f32 v47, v21;
	v23 =	vmul.f32 v23, v23  }
0x75: {  	v24 =	vmul.f32 v47, v24;
	v22 =	vmul.f32 $1.442695020e+00, v22  }
0x76: {  	v21 =	vmul.f32 $1.442695020e+00, v21;
	v23 =	vmul.f32 v47, v23  }
0x77: {  	(erf) = vpow2.f32 v22;
	v22 =	vmul.f32 $1.442695020e+00, v24;
	v24 =	vsub.f32 $-7.000000000e+00, v30  }
0x78: {  	(erf) = vpow2.f32 v21;
	v21 =	vmul.f32 $1.442695020e+00, v23;
	v23 =	vsub.f32 $-6.000000000e+00, v30  }
0x79: {  	(erf) = vpow2.f32 v22;
	v22 =	vmul.f32 v24, v24;
	v24 =	vsub.f32 $-5.000000000e+00, v30  }
0x7a: {  	(erf) = vpow2.f32 v21;
	v21 =	vmul.f32 v23, v23;
	v23 =	vsub.f32 $-4.000000000e+00, v30  }
0x7b: {  	v22 =	vmul.f32 v47, v22;
	v24 =	vmul.f32 v24, v24  }
0x7c: {  	v48 =	vld.idx.msk [tilespmem:v33+s11+$0x0], $0xffff;
	v21 =	vmul.f32 v47, v21;
	v23 =	vmul.f32 v23, v23  }
0x7d: {  	v22 =	vmul.f32 $1.442695020e+00, v22;
	v24 =	vmul.f32 v47, v24  }
0x7e: {  	v21 =	vmul.f32 $1.442695020e+00, v21;
	v23 =	vmul.f32 v47, v23  }
0x7f: {  	(erf) = vpow2.f32 v22;
	v22 =	vmul.f32 $1.442695020e+00, v24;
	v24 =	vsub.f32 $-3.000000000e+00, v30  }
0x80: {  	(erf) = vpow2.f32 v21;
	v21 =	vmul.f32 $1.442695020e+00, v23;
	v23 =	vsub.f32 $-2.000000000e+00, v30  }
0x81: {  	v38 =	vsub.f32 v2, v48;
	(erf) = vpow2.f32 v22;
	v22 =	vmul.f32 v24, v24  }
0x82: {  	v24 =	vsub.f32 $-1.000000000e+00, v30;
	(erf) = vpow2.f32 v21;
	v21 =	vmul.f32 v23, v23  }
0x83: {  	v56 =	vmul.f32 v38, v38;
	v23 =	vsub.f32 $0.0e+00, v30;
	v22 =	vmul.f32 v47, v22  }
0x84: {  	v24 =	vmul.f32 v24, v24;
	v21 =	vmul.f32 v47, v21  }
0x85: {  	v55 =	vsub.f32 v3, v48;
	v23 =	vmul.f32 v23, v23;
	v22 =	vmul.f32 $1.442695020e+00, v22  }
0x86: {  	v24 =	vmul.f32 v47, v24;
	v21 =	vmul.f32 $1.442695020e+00, v21  }
0x87: {  	v58 =	vmul.f32 v55, v55;
	v23 =	vmul.f32 v47, v23  }
0x88: {  	(erf) = vpow2.f32 v22;
	v22 =	vmul.f32 $1.442695020e+00, v24;
	v24 =	vsub.f32 $1.000000000e+00, v30  }
0x89: {  	v25 =	vsub.f32 $2.000000000e+00, v30;
	(erf) = vpow2.f32 v21;
	v23 =	vmul.f32 $1.442695020e+00, v23  }
0x8a: {  	v21 =	vpop (erf);
	(erf) = vpow2.f32 v22;
	v22 =	vmul.f32 v24, v24;
	v24 =	vsub.f32 $3.000000000e+00, v30  }
0x8b: {  	(erf) = vpow2.f32 v23;
	v23 =	vmul.f32 v25, v25;
	v25 =	vsub.f32 $4.000000000e+00, v30  }
0x8c: {  	v57 =	vsub.f32 v4, v48;
	v22 =	vmul.f32 v47, v22;
	v24 =	vmul.f32 v24, v24  }
0x8d: {  	v23 =	vmul.f32 v47, v23;
	v25 =	vmul.f32 v25, v25  }
0x8e: {  	v38 =	vmul.f32 v57, v57;
	v57 =	vsub.f32 v9, v48;
	v24 =	vmul.f32 v47, v24  }
0x8f: {  	v26 =	vmul.f32 $1.442695020e+00, v22;
	v25 =	vmul.f32 v47, v25  }
0x90: {  	v57 =	vmul.f32 v57, v57;
	v27 =	vmul.f32 $1.442695020e+00, v23;
	v22 =	vpop (erf)  }
0x91: {  	v28 =	vsub.f32 $5.000000000e+00, v30;
	(erf) = vpow2.f32 v26;
	v26 =	vmul.f32 $1.442695020e+00, v24;
	v23 =	vpop (erf)  }
0x92: {  	v29 =	vsub.f32 $6.000000000e+00, v30;
	v24 =	vpop (erf);
	(erf) = vpow2.f32 v27;
	v27 =	vmul.f32 $1.442695020e+00, v25  }
0x93: {  	v25 =	vpop (erf);
	(erf) = vpow2.f32 v26;
	v26 =	vmul.f32 v28, v28;
	v28 =	vsub.f32 $7.000000000e+00, v30  }
0x94: {  	(erf) = vpow2.f32 v27;
	v27 =	vmul.f32 v29, v29;
	v29 =	vsub.f32 $8.000000000e+00, v30  }
0x95: {  	v35 =	vsub.f32 $1.000000000e+01, v30;
	v26 =	vmul.f32 v47, v26;
	v28 =	vmul.f32 v28, v28  }
0x96: {  	v27 =	vmul.f32 v47, v27;
	v29 =	vmul.f32 v29, v29  }
0x97: {  	v52 =	vmul.f32 v35, v35;
	v28 =	vmul.f32 v47, v28  }
0x98: {  	v31 =	vmul.f32 $1.442695020e+00, v26;
	v29 =	vmul.f32 v47, v29  }
0x99: {  	v34 =	vsub.f32 $9.000000000e+00, v30;
	v38 =	vmul.f32 v47, v38;
	v32 =	vmul.f32 $1.442695020e+00, v27;
	v26 =	vpop (erf)  }
0x9a: {  	v45 =	vsub.f32 $1.100000000e+01, v30;
	(erf) = vpow2.f32 v31;
	v31 =	vmul.f32 $1.442695020e+00, v28;
	v27 =	vpop (erf)  }
0x9b: {  	v30 =	vsub.f32 $1.200000000e+01, v30;
	v44 =	vmul.f32 $1.442695020e+00, v29;
	v28 =	vpop (erf);
	(erf) = vpow2.f32 v32  }
0x9c: {  	v29 =	vpop (erf);
	(erf) = vpow2.f32 v31;
	v31 =	vmul.f32 v34, v34  }
0x9d: {  	v60 =	vmul.f32 $1.442695020e+00, v38;
	v53 =	vmul.f32 v30, v30  }
0x9e: {  	v34 =	vmul.f32 v45, v45;
	v31 =	vmul.f32 v47, v31  }
0x9f: {  	v35 =	vmul.f32 v47, v53;
	v32 =	vmul.f32 v47, v52  }
0xa0: {  	v34 =	vmul.f32 v47, v34;
	v36 =	vmul.f32 $1.442695020e+00, v31  }
0xa1: {  	(erf) = vpow2.f32 v44;
	v30 =	vpop (erf);
	v37 =	vmul.f32 $1.442695020e+00, v32  }
0xa2: {  	v54 =	vmul.f32 $1.442695020e+00, v34;
	v31 =	vpop (erf);
	(erf) = vpow2.f32 v36  }
0xa3: {  	v35 =	vmul.f32 $1.442695020e+00, v35;
	v32 =	vpop (erf);
	(erf) = vpow2.f32 v37  }
0xa4: {  	v59 =	vsub.f32 v5, v48;
	v36 =	vmul.f32 v47, v56;
	v34 =	vpop (erf);
	(erf) = vpow2.f32 v54  }
0xa5: {  	v52 =	vsub.f32 v6, v48;
	(erf) = vpow2.f32 v35;
	v40 =	vpop (erf);
	v35 =	vmul.f32 v47, v58  }
0xa6: {  	v37 =	vmul.f32 v59, v59;
	v36 =	vmul.f32 $1.442695020e+00, v36;
	v41 =	vpop (erf)  }
0xa7: {  	v52 =	vmul.f32 v52, v52;
	v42 =	vpop (erf);
	v35 =	vmul.f32 $1.442695020e+00, v35  }
0xa8: {  	v54 =	vsub.f32 v7, v48;
	v37 =	vmul.f32 v47, v37;
	(erf) = vpow2.f32 v36;
	v43 =	vpop (erf)  }
0xa9: {  	v52 =	vmul.f32 v47, v52;
	v56 =	vsub.f32 v8, v48;
	v44 =	vpop (erf);
	(erf) = vpow2.f32 v35  }
0xaa: {  	v54 =	vmul.f32 v54, v54;
	v61 =	vmul.f32 $1.442695020e+00, v37;
	v45 =	vpop (erf)  }
0xab: {  	v56 =	vmul.f32 v56, v56;
	(erf) = vpow2.f32 v60;
	v39 =	vpop (erf)  }
0xac: {  	v54 =	vmul.f32 v47, v54;
	(erf) = vpow2.f32 v61;
	v38 =	vpop (erf)  }
0xad: {  	v49 =	vld.idx.msk [tilespmem:v33+s12+$0x0], $0xffff;
	v52 =	vmul.f32 $1.442695020e+00, v52;
	v56 =	vmul.f32 v47, v56;
	v36 =	vpop (erf)  }
0xae: {  	v57 =	vmul.f32 v47, v57;
	v54 =	vmul.f32 $1.442695020e+00, v54;
	v37 =	vpop (erf)  }
0xaf: {  	v63 =	vsub.f32 v10, v48;
	v62 =	vmul.f32 $1.442695020e+00, v56;
	v35 =	vpop (erf);
	(erf) = vpow2.f32 v52  }
0xb0: {  	v60 =	vmul.f32 $1.442695020e+00, v57;
	v33 =	vpop (erf);
	(erf) = vpow2.f32 v54  }
0xb1: {  	v61 =	vsub.f32 v11, v48;
	v50 =	vpop (erf);
	(erf) = vpow2.f32 v62;
	v62 =	vmul.f32 v63, v63  }
0xb2: {  	v63 =	vsub.f32 v12, v48;
	v51 =	vpop (erf);
	v50 =	vmul.f32 v50, v49;
	(erf) = vpow2.f32 v60  }
0xb3: {  	v60 =	vmul.f32 v61, v61;
	v51 =	vmul.f32 v51, v49  }
0xb4: {  	v61 =	vsub.f32 v13, v48;
	v53 =	vpop (erf);
	v52 =	vmul.f32 v47, v62;
	v56 =	vmul.f32 v63, v63  }
0xb5: {  	v53 =	vmul.f32 v53, v49;
	v55 =	vpop (erf);
	v54 =	vmul.f32 v47, v60  }
0xb6: {  	v57 =	vmul.f32 v61, v61;
	v55 =	vmul.f32 v55, v49  }
0xb7: {  	v52 =	vmul.f32 $1.442695020e+00, v52;
	v56 =	vmul.f32 v47, v56  }
0xb8: {  	v54 =	vmul.f32 $1.442695020e+00, v54;
	v57 =	vmul.f32 v47, v57  }
0xb9: {  	v63 =	vsub.f32 v14, v48;
	(erf) = vpow2.f32 v52;
	v62 =	vmul.f32 $1.442695020e+00, v56  }
0xba: {  	v61 =	vsub.f32 v15, v48;
	(erf) = vpow2.f32 v54;
	v60 =	vmul.f32 $1.442695020e+00, v57  }
0xbb: {  	(erf) = vpow2.f32 v62;
	v62 =	vmul.f32 v63, v63;
	v63 =	vsub.f32 v16, v48  }
0xbc: {  	v48 =	vsub.f32 v17, v48;
	(erf) = vpow2.f32 v60;
	v60 =	vmul.f32 v61, v61  }
0xbd: {  	v52 =	vmul.f32 v47, v62;
	v56 =	vmul.f32 v63, v63  }
0xbe: {  	v48 =	vmul.f32 v48, v48;
	v54 =	vmul.f32 v47, v60  }
0xbf: {  	v52 =	vmul.f32 $1.442695020e+00, v52;
	v56 =	vmul.f32 v47, v56  }
0xc0: {  	v47 =	vmul.f32 v47, v48;
	v54 =	vmul.f32 $1.442695020e+00, v54  }
0xc1: {  	[tilespmem:$0x2600] =	vst v50;
	(erf) = vpow2.f32 v52;
	v61 =	vmul.f32 $1.442695020e+00, v56  }
0xc2: {  	[tilespmem:$0x2610] =	vst v51;
	v62 =	vpop (erf);
	v47 =	vmul.f32 $1.442695020e+00, v47;
	(erf) = vpow2.f32 v54  }
0xc3: {  	[tilespmem:$0x2620] =	vst v53;
	v50 =	vmul.f32 v62, v49;
	v63 =	vpop (erf);
	(erf) = vpow2.f32 v61  }
0xc4: {  	[tilespmem:$0x2630] =	vst v55;
	v55 =	vpop (erf);
	v54 =	vmul.f32 v63, v49;
	(erf) = vpow2.f32 v47  }
0xc5: {  	[tilespmem:$0x2640] =	vst v50;
	v57 =	vmul.f32 v55, v49;
	v56 =	vpop (erf)  }
0xc6: {  	v58 =	vpop (erf);
	[tilespmem:$0x2650] =	vst v54;
	v47 =	vmul.f32 v56, v49  }
0xc7: {  	[tilespmem:$0x2660] =	vst v57;
	v59 =	vpop (erf);
	v60 =	vmul.f32 v58, v49  }
0xc8: {  	v61 =	vpop (erf);
	[tilespmem:$0x2670] =	vst v47;
	v62 =	vmul.f32 v59, v49  }
0xc9: {  	v51 =	vadd.s32 s21, v20;
	v63 =	vpop (erf);
	[tilespmem:$0x2680] =	vst v60;
	v56 =	vmul.f32 v61, v49  }
0xca: {  	v58 =	vshll.u32 v51, $0x4;
	[tilespmem:$0x2690] =	vst v62;
	v57 =	vmul.f32 v63, v49;
	v52 =	vpop (erf)  }
0xcb: {  	v48 =	vand.u32 $0xFF, v58;
	[tilespmem:$0x26A0] =	vst v56;
	v59 =	vpop (erf);
	v60 =	vmul.f32 v52, v49  }
0xcc: {  	v48 =	vor.u32 v20, v48;
	[tilespmem:$0x26B0] =	vst v57;
	v61 =	vpop (erf);
	v62 =	vmul.f32 v59, v49  }
0xcd: {  	[tilespmem:$0x26C0] =	vst v60;
	v63 =	vmul.f32 v61, v49;
	v56 =	vpop (erf)  }
0xce: {  	[tilespmem:$0x26D0] =	vst v62;
	v57 =	vmul.f32 v56, v49  }
0xcf: {  	[tilespmem:$0x26E0] =	vst v63  }
0xd0: {  	v58 =	vand.u32 $0xF, v51;
	[tilespmem:$0x26F0] =	vst v57  }
0xd1: {  	v47 =	vmul.u32 $0x220, v58;
	v50 =	vld.idx.msk [tilespmem:v48+s16+$0x0], $0xffff  }
0xd2: {  	v46 =	vadd.s32 $0x4, v46  }
0xd3: {  	v47 =	vadd.s32 v47, v46  }
0xd4: {  	v59 =	vadd.s32 $0x1, v47  }
0xd5: {  	v49 =	vadd.s32 $0x2, v47  }
0xd6: {  	v61 =	vadd.s32 $0x3, v47;
	v60 =	vmul.f32 v50, v21  }
0xd7: {  	v54 =	vadd.s32 $0x4, v47;
	v62 =	vmul.f32 v50, v22  }
0xd8: {  	v57 =	vadd.s32 $0x5, v47;
	v63 =	vmul.f32 v50, v23;
	[tilespmem:v47+s17+$0x0] =	vst.idx.add.f32.msk $0xffff, v60  }
0xd9: {  	v58 =	vmul.f32 v50, v24;
	[tilespmem:v59+s17+$0x0] =	vst.idx.add.f32.msk $0xffff, v62;
	v59 =	vadd.s32 $0x6, v47  }
0xda: {  	v51 =	vadd.s32 $0x7, v47;
	v60 =	vmul.f32 v50, v25;
	[tilespmem:v49+s17+$0x0] =	vst.idx.add.f32.msk $0xffff, v63  }
0xdb: {  	v62 =	vadd.s32 $0x8, v47;
	[tilespmem:v61+s17+$0x0] =	vst.idx.add.f32.msk $0xffff, v58;
	v61 =	vmul.f32 v50, v26  }
0xdc: {  	v63 =	vmul.f32 v50, v27;
	[tilespmem:v54+s17+$0x0] =	vst.idx.add.f32.msk $0xffff, v60;
	v54 =	vadd.s32 $0x9, v47  }
0xdd: {  	v58 =	vadd.s32 $0xA, v47;
	[tilespmem:v57+s17+$0x0] =	vst.idx.add.f32.msk $0xffff, v61;
	v57 =	vmul.f32 v50, v28  }
0xde: {  	v60 =	vadd.s32 $0xB, v47;
	[tilespmem:v59+s17+$0x0] =	vst.idx.add.f32.msk $0xffff, v63;
	v59 =	vmul.f32 v50, v29  }
0xdf: {  	v61 =	vmul.f32 v50, v30;
	[tilespmem:v51+s17+$0x0] =	vst.idx.add.f32.msk $0xffff, v57;
	v51 =	vadd.s32 $0xC, v47  }
0xe0: {  	v63 =	vadd.s32 $0xD, v47;
	[tilespmem:v62+s17+$0x0] =	vst.idx.add.f32.msk $0xffff, v59;
	v62 =	vmul.f32 v50, v31  }
0xe1: {  	v57 =	vmul.f32 v50, v32;
	[tilespmem:v54+s17+$0x0] =	vst.idx.add.f32.msk $0xffff, v61;
	v54 =	vadd.s32 $0xE, v47  }
0xe2: {  	v59 =	vadd.s32 $0xF, v47;
	[tilespmem:v58+s17+$0x0] =	vst.idx.add.f32.msk $0xffff, v62;
	v58 =	vmul.f32 v50, v34  }
0xe3: {  	v61 =	vadd.s32 $0x10, v47;
	[tilespmem:v60+s17+$0x0] =	vst.idx.add.f32.msk $0xffff, v57;
	v60 =	vmul.f32 v50, v40  }
0xe4: {  	v56 =	vmul.f32 v50, v41;
	v57 =	vadd.s32 $0x11, v47;
	[tilespmem:v51+s17+$0x0] =	vst.idx.add.f32.msk $0xffff, v58  }
0xe5: {  	v62 =	vmul.f32 v50, v42;
	[tilespmem:v63+s17+$0x0] =	vst.idx.add.f32.msk $0xffff, v60;
	v63 =	vadd.s32 $0x12, v47  }
0xe6: {  	v58 =	vmul.f32 v50, v43;
	[tilespmem:v54+s17+$0x0] =	vst.idx.add.f32.msk $0xffff, v56;
	v54 =	vadd.s32 $0x13, v47  }
0xe7: {  	v55 =	vadd.s32 $0x14, v47;
	[tilespmem:v59+s17+$0x0] =	vst.idx.add.f32.msk $0xffff, v62;
	v59 =	vmul.f32 v50, v44  }
0xe8: {  	v60 =	vmul.f32 v50, v45;
	[tilespmem:v61+s17+$0x0] =	vst.idx.add.f32.msk $0xffff, v58  }
0xe9: {  	s31 =	simm.s32 $0x1;
	v62 =	vmul.f32 v50, v39;
	v61 =	vadd.s32 $0x15, v47;
	[tilespmem:v57+s17+$0x0] =	vst.idx.add.f32.msk $0xffff, v59  }
0xea: {  	v51 =	vadd.s32 $0x16, v47;
	v58 =	vadd.s32 s31, v20;
	[tilespmem:v63+s17+$0x0] =	vst.idx.add.f32.msk $0xffff, v60;
	v63 =	vmul.f32 v50, v38  }
0xeb: {  	v56 =	vadd.s32 $0x17, v47;
	v60 =	vshll.u32 v58, $0x4;
	[tilespmem:v54+s17+$0x0] =	vst.idx.add.f32.msk $0xffff, v62  }
0xec: {  	v47 =	vadd.s32 $0x18, v47;
	v57 =	vmul.f32 v50, v36;
	[tilespmem:v55+s17+$0x0] =	vst.idx.add.f32.msk $0xffff, v63;
	v63 =	vand.u32 $0xFF, v60  }
0xed: {  	v59 =	vmul.f32 v50, v37;
	v49 =	vor.u32 v20, v63  }
0xee: {  	[tilespmem:v61+s17+$0x0] =	vst.idx.add.f32.msk $0xffff, v57;
	v61 =	vmul.f32 v50, v35  }
0xef: {  	v62 =	vand.u32 $0xF, v58;
	v50 =	vmul.f32 v50, v33;
	[tilespmem:v51+s17+$0x0] =	vst.idx.add.f32.msk $0xffff, v59  }
0xf0: {  	s23 =	simm.s32 $0x2;
	v48 =	vmul.u32 $0x220, v62;
	[tilespmem:v56+s17+$0x0] =	vst.idx.add.f32.msk $0xffff, v61  }
.LBB2_9:
0xf1: {  	p0 =	sne.s32 s23, $0xF;
	[tilespmem:v47+s17+$0x0] =	vst.idx.add.f32.msk $0xffff, v50;
	s24 =	smov.u32 s23;
	s23 =	sadd.s32 $0x1, s23  }
0xf2: {  	v50 =	vld.idx.msk [tilespmem:v49+s16+$0x0], $0xffff;
	_ =	sdelay $0x2  }
0xf3: {  	v48 =	vadd.s32 v48, v46  }
0xf4: {  	v47 =	vadd.s32 $0x1, v48  }
0xf5: {  	v49 =	vadd.s32 $0x2, v48  }
0xf6: {  	v52 =	vadd.s32 $0x3, v48;
	v51 =	vmul.f32 v50, v21  }
0xf7: {  	v54 =	vadd.s32 $0x4, v48;
	v53 =	vmul.f32 v50, v22  }
0xf8: {  	v55 =	vadd.s32 $0x5, v48;
	[tilespmem:v48+s17+$0x0] =	vst.idx.add.f32.msk $0xffff, v51;
	v51 =	vmul.f32 v50, v23  }
0xf9: {  	[tilespmem:v47+s17+$0x0] =	vst.idx.add.f32.msk $0xffff, v53;
	v47 =	vmul.f32 v50, v24;
	v53 =	vadd.s32 $0x6, v48  }
0xfa: {  	[tilespmem:v49+s17+$0x0] =	vst.idx.add.f32.msk $0xffff, v51;
	v49 =	vmul.f32 v50, v25;
	v51 =	vadd.s32 $0x7, v48  }
0xfb: {  	[tilespmem:v52+s17+$0x0] =	vst.idx.add.f32.msk $0xffff, v47;
	v47 =	vmul.f32 v50, v26;
	v52 =	vadd.s32 $0x8, v48  }
0xfc: {  	[tilespmem:v54+s17+$0x0] =	vst.idx.add.f32.msk $0xffff, v49;
	v49 =	vmul.f32 v50, v27;
	v54 =	vadd.s32 $0x9, v48  }
0xfd: {  	[tilespmem:v55+s17+$0x0] =	vst.idx.add.f32.msk $0xffff, v47;
	v47 =	vmul.f32 v50, v28;
	v55 =	vadd.s32 $0xA, v48  }
0xfe: {  	[tilespmem:v53+s17+$0x0] =	vst.idx.add.f32.msk $0xffff, v49;
	v49 =	vmul.f32 v50, v29;
	v53 =	vadd.s32 $0xB, v48  }
0xff: {  	[tilespmem:v51+s17+$0x0] =	vst.idx.add.f32.msk $0xffff, v47;
	v47 =	vmul.f32 v50, v30;
	v51 =	vadd.s32 $0xC, v48  }
0x100: {  	[tilespmem:v52+s17+$0x0] =	vst.idx.add.f32.msk $0xffff, v49;
	v49 =	vmul.f32 v50, v31;
	v52 =	vadd.s32 $0xD, v48  }
0x101: {  	[tilespmem:v54+s17+$0x0] =	vst.idx.add.f32.msk $0xffff, v47;
	v47 =	vmul.f32 v50, v32;
	v54 =	vadd.s32 $0xE, v48  }
0x102: {  	[tilespmem:v55+s17+$0x0] =	vst.idx.add.f32.msk $0xffff, v49;
	v49 =	vmul.f32 v50, v34;
	v55 =	vadd.s32 $0xF, v48  }
0x103: {  	[tilespmem:v53+s17+$0x0] =	vst.idx.add.f32.msk $0xffff, v47;
	v47 =	vmul.f32 v50, v40;
	v53 =	vadd.s32 $0x10, v48  }
0x104: {  	[tilespmem:v51+s17+$0x0] =	vst.idx.add.f32.msk $0xffff, v49;
	v49 =	vmul.f32 v50, v41;
	v51 =	vadd.s32 $0x11, v48  }
0x105: {  	[tilespmem:v52+s17+$0x0] =	vst.idx.add.f32.msk $0xffff, v47;
	v47 =	vmul.f32 v50, v42;
	v52 =	vadd.s32 $0x12, v48  }
0x106: {  	[tilespmem:v54+s17+$0x0] =	vst.idx.add.f32.msk $0xffff, v49;
	v49 =	vmul.f32 v50, v43;
	v54 =	vadd.s32 $0x13, v48  }
0x107: {  	v56 =	vadd.s32 $0x14, v48;
	[tilespmem:v55+s17+$0x0] =	vst.idx.add.f32.msk $0xffff, v47;
	v55 =	vmul.f32 v50, v44;
	v47 =	vadd.s32 $0x18, v48  }
0x108: {  	v57 =	vadd.s32 $0x17, v48;
	[tilespmem:v53+s17+$0x0] =	vst.idx.add.f32.msk $0xffff, v49;
	v49 =	vmul.f32 v50, v45;
	v53 =	vadd.s32 $0x15, v48  }
0x109: {  	v58 =	vadd.s32 s24, v20;
	[tilespmem:v51+s17+$0x0] =	vst.idx.add.f32.msk $0xffff, v55;
	v51 =	vmul.f32 v50, v39;
	v55 =	vadd.s32 $0x16, v48  }
0x10a: {  	v48 =	vand.u32 $0xF, v58;
	v58 =	vshll.u32 v58, $0x4;
	[tilespmem:v52+s17+$0x0] =	vst.idx.add.f32.msk $0xffff, v49;
	v52 =	vmul.f32 v50, v38  }
.Ltmp4:
0x10b: {  	v49 =	vand.u32 $0xFF, v58;
	v48 =	vmul.u32 $0x220, v48;
	[tilespmem:v54+s17+$0x0] =	vst.idx.add.f32.msk $0xffff, v51;
	v51 =	vmul.f32 v50, v36;
	(pc) =	sbr.rel @p0 .LBB2_9-.Ltmp4, $4  }
0x10c: {  	v49 =	vor.u32 v20, v49;
	[tilespmem:v56+s17+$0x0] =	vst.idx.add.f32.msk $0xffff, v52;
	v52 =	vmul.f32 v50, v37  }
0x10d: {  	[tilespmem:v53+s17+$0x0] =	vst.idx.add.f32.msk $0xffff, v51;
	v51 =	vmul.f32 v50, v35  }
0x10e: {  	v50 =	vmul.f32 v50, v33;
	[tilespmem:v55+s17+$0x0] =	vst.idx.add.f32.msk $0xffff, v52  }
0x10f: {  	[tilespmem:v57+s17+$0x0] =	vst.idx.add.f32.msk $0xffff, v51  }
0x110: {  	_ =	sdelay $0x3  }
0x111: {  	[tilespmem:v47+s17+$0x0] =	vst.idx.add.f32.msk $0xffff, v50  }
0x112: {  	v47 =	vld.idx.msk [tilespmem:v49+s16+$0x0], $0xffff;
	_ =	sdelay $0x1  }
0x113: {  	v46 =	vadd.s32 v48, v46  }
0x114: {  	v48 =	vadd.s32 $0x1, v46  }
0x115: {  	v62 =	vadd.s32 $0x2, v46  }
0x116: {  	v63 =	vadd.s32 $0x3, v46;
	v21 =	vmul.f32 v47, v21  }
0x117: {  	v51 =	vadd.s32 $0x4, v46;
	v22 =	vmul.f32 v47, v22  }
0x118: {  	[tilespmem:v46+s17+$0x0] =	vst.idx.add.f32.msk $0xffff, v21;
	v21 =	vmul.f32 v47, v23;
	v23 =	vadd.s32 $0x5, v46  }
0x119: {  	[tilespmem:v48+s17+$0x0] =	vst.idx.add.f32.msk $0xffff, v22;
	v22 =	vmul.f32 v47, v24;
	v48 =	vadd.s32 $0x6, v46  }
0x11a: {  	v49 =	vadd.s32 $0x7, v46;
	[tilespmem:v62+s17+$0x0] =	vst.idx.add.f32.msk $0xffff, v21;
	v21 =	vmul.f32 v47, v25  }
0x11b: {  	v50 =	vadd.s32 $0x8, v46;
	[tilespmem:v63+s17+$0x0] =	vst.idx.add.f32.msk $0xffff, v22;
	v22 =	vmul.f32 v47, v26  }
0x11c: {  	[tilespmem:v51+s17+$0x0] =	vst.idx.add.f32.msk $0xffff, v21;
	v21 =	vmul.f32 v47, v27;
	v51 =	vadd.s32 $0x9, v46  }
0x11d: {  	[tilespmem:v23+s17+$0x0] =	vst.idx.add.f32.msk $0xffff, v22;
	v22 =	vmul.f32 v47, v28;
	v23 =	vadd.s32 $0xA, v46  }
0x11e: {  	v52 =	vadd.s32 $0xB, v46;
	[tilespmem:v48+s17+$0x0] =	vst.idx.add.f32.msk $0xffff, v21;
	v21 =	vmul.f32 v47, v29  }
0x11f: {  	v53 =	vadd.s32 $0xC, v46;
	[tilespmem:v49+s17+$0x0] =	vst.idx.add.f32.msk $0xffff, v22;
	v22 =	vmul.f32 v47, v30  }
0x120: {  	v54 =	vadd.s32 $0xD, v46;
	[tilespmem:v50+s17+$0x0] =	vst.idx.add.f32.msk $0xffff, v21;
	v21 =	vmul.f32 v47, v31  }
0x121: {  	v55 =	vadd.s32 $0xE, v46;
	[tilespmem:v51+s17+$0x0] =	vst.idx.add.f32.msk $0xffff, v22;
	v22 =	vmul.f32 v47, v32  }
0x122: {  	[tilespmem:v23+s17+$0x0] =	vst.idx.add.f32.msk $0xffff, v21;
	v21 =	vmul.f32 v47, v34;
	v23 =	vadd.s32 $0xF, v46  }
0x123: {  	v56 =	vadd.s32 $0x10, v46;
	[tilespmem:v52+s17+$0x0] =	vst.idx.add.f32.msk $0xffff, v22;
	v22 =	vmul.f32 v47, v40  }
0x124: {  	v57 =	vadd.s32 $0x11, v46;
	[tilespmem:v53+s17+$0x0] =	vst.idx.add.f32.msk $0xffff, v21;
	v21 =	vmul.f32 v47, v41  }
0x125: {  	v58 =	vadd.s32 $0x12, v46;
	[tilespmem:v54+s17+$0x0] =	vst.idx.add.f32.msk $0xffff, v22;
	v22 =	vmul.f32 v47, v42  }
0x126: {  	v59 =	vadd.s32 $0x13, v46;
	[tilespmem:v55+s17+$0x0] =	vst.idx.add.f32.msk $0xffff, v21;
	v21 =	vmul.f32 v47, v43  }
0x127: {  	[tilespmem:v23+s17+$0x0] =	vst.idx.add.f32.msk $0xffff, v22;
	v22 =	vmul.f32 v47, v44;
	v23 =	vadd.s32 $0x14, v46  }
0x128: {  	v60 =	vadd.s32 $0x15, v46;
	[tilespmem:v56+s17+$0x0] =	vst.idx.add.f32.msk $0xffff, v21;
	v21 =	vmul.f32 v47, v45  }
0x129: {  	v61 =	vadd.s32 $0x16, v46;
	[tilespmem:v57+s17+$0x0] =	vst.idx.add.f32.msk $0xffff, v22;
	v22 =	vmul.f32 v47, v39  }
0x12a: {  	s22 =	sadd.s32 $0x1, s22;
	v62 =	vadd.s32 $0x17, v46;
	[tilespmem:v58+s17+$0x0] =	vst.idx.add.f32.msk $0xffff, v21;
	v21 =	vmul.f32 v47, v38  }
0x12b: {  	p0 =	sne.s32 s22, s20;
	v63 =	vadd.s32 $0x18, v46;
	[tilespmem:v59+s17+$0x0] =	vst.idx.add.f32.msk $0xffff, v22;
	v22 =	vmul.f32 v47, v36  }
.Ltmp5:
0x12c: {  	[tilespmem:v23+s17+$0x0] =	vst.idx.add.f32.msk $0xffff, v21;
	v21 =	vmul.f32 v47, v37;
	(pc) =	sbr.rel @p0 .LBB2_8-.Ltmp5, $4  }
0x12d: {  	[tilespmem:v60+s17+$0x0] =	vst.idx.add.f32.msk $0xffff, v22;
	v22 =	vmul.f32 v47, v35  }
0x12e: {  	[tilespmem:v61+s17+$0x0] =	vst.idx.add.f32.msk $0xffff, v21;
	v21 =	vmul.f32 v47, v33  }
0x12f: {  	[tilespmem:v62+s17+$0x0] =	vst.idx.add.f32.msk $0xffff, v22  }
0x130: {  	[tilespmem:v63+s17+$0x0] =	vst.idx.add.f32.msk $0xffff, v21  }
.LBB2_11:
0x131: {  	s21 =	simm.s32 $0x2810  }
0x132: {  	v21 =	vld [tilespmem:s21+$0xFFFFFF00];
	_ =	sdelay $0x1  }
0x133: {  	s20 =	simm.s32 $0x0  }
0x134: {  	s22 =	sand.u32 $0x1000, s20;
	s23 =	sand.u32 $0x380, s20  }
0x135: {  	s22 =	sor.u32 s23, s22  }
0x136: {  	[tilespmem:s22+$0x4900] =	vst v21  }
0x137: {  	v21 =	vld [tilespmem:s21+$0xFFFFFF10];
	_ =	sdelay $0x4  }
0x138: {  	[tilespmem:s22+$0x4910] =	vst v21  }
0x139: {  	v21 =	vld [tilespmem:s21+$0xFFFFFF20];
	_ =	sdelay $0x4  }
0x13a: {  	[tilespmem:s22+$0x4920] =	vst v21  }
0x13b: {  	v21 =	vld [tilespmem:s21+$0xFFFFFF30];
	_ =	sdelay $0x4  }
0x13c: {  	[tilespmem:s22+$0x4930] =	vst v21  }
0x13d: {  	v21 =	vld [tilespmem:s21+$0xFFFFFF40];
	_ =	sdelay $0x4  }
0x13e: {  	[tilespmem:s22+$0x4940] =	vst v21  }
0x13f: {  	v21 =	vld [tilespmem:s21+$0xFFFFFF50];
	_ =	sdelay $0x4  }
0x140: {  	[tilespmem:s22+$0x4950] =	vst v21  }
0x141: {  	v21 =	vld [tilespmem:s21+$0xFFFFFF60];
	_ =	sdelay $0x4  }
0x142: {  	s31 =	sand.u32 $0x1FE0, s20;
	[tilespmem:s22+$0x4960] =	vst v21  }
0x143: {  	v21 =	vld [tilespmem:s31+$0x2780];
	_ =	sdelay $0x4  }
0x144: {  	[tilespmem:s22+$0x4970] =	vst v21  }
0x145: {  	v21 =	vld [tilespmem:s21+$0xFFFFFF80];
	_ =	sdelay $0x4  }
0x146: {  	[tilespmem:s22+$0x4D00] =	vst v21  }
0x147: {  	v21 =	vld [tilespmem:s21+$0xFFFFFF90];
	_ =	sdelay $0x4  }
0x148: {  	[tilespmem:s22+$0x4D10] =	vst v21  }
0x149: {  	v21 =	vld [tilespmem:s21+$0xFFFFFFA0];
	_ =	sdelay $0x4  }
0x14a: {  	[tilespmem:s22+$0x4D20] =	vst v21  }
0x14b: {  	v21 =	vld [tilespmem:s21+$0xFFFFFFB0];
	_ =	sdelay $0x4  }
0x14c: {  	[tilespmem:s22+$0x4D30] =	vst v21  }
0x14d: {  	v21 =	vld [tilespmem:s21+$0xFFFFFFC0];
	_ =	sdelay $0x4  }
0x14e: {  	[tilespmem:s22+$0x4D40] =	vst v21  }
0x14f: {  	v21 =	vld [tilespmem:s21+$0xFFFFFFD0];
	_ =	sdelay $0x4  }
0x150: {  	[tilespmem:s22+$0x4D50] =	vst v21  }
0x151: {  	v21 =	vld [tilespmem:s21+$0xFFFFFFE0];
	_ =	sdelay $0x4  }
0x152: {  	[tilespmem:s22+$0x4D60] =	vst v21  }
0x153: {  	v21 =	vld [tilespmem:s31+$0x2800];
	_ =	sdelay $0x4  }
0x154: {  	[tilespmem:s22+$0x4D70] =	vst v21  }
0x155: {  	v21 =	vld [tilespmem:s21+$0x0];
	_ =	sdelay $0x4  }
0x156: {  	[tilespmem:s22+$0x5100] =	vst v21  }
0x157: {  	v21 =	vld [tilespmem:s21+$0x10];
	_ =	sdelay $0x4  }
0x158: {  	[tilespmem:s22+$0x5110] =	vst v21  }
0x159: {  	v21 =	vld [tilespmem:s21+$0x20];
	_ =	sdelay $0x4  }
0x15a: {  	[tilespmem:s22+$0x5120] =	vst v21  }
0x15b: {  	v21 =	vld [tilespmem:s21+$0x30];
	_ =	sdelay $0x4  }
0x15c: {  	[tilespmem:s22+$0x5130] =	vst v21  }
0x15d: {  	v21 =	vld [tilespmem:s21+$0x40];
	_ =	sdelay $0x4  }
0x15e: {  	[tilespmem:s22+$0x5140] =	vst v21  }
0x15f: {  	v21 =	vld [tilespmem:s21+$0x50];
	_ =	sdelay $0x4  }
0x160: {  	[tilespmem:s22+$0x5150] =	vst v21  }
0x161: {  	v21 =	vld [tilespmem:s21+$0x60];
	_ =	sdelay $0x4  }
0x162: {  	[tilespmem:s22+$0x5160] =	vst v21  }
0x163: {  	v21 =	vld [tilespmem:s31+$0x2880];
	_ =	sdelay $0x4  }
0x164: {  	[tilespmem:s22+$0x5170] =	vst v21  }
0x165: {  	v21 =	vld [tilespmem:s21+$0x80];
	_ =	sdelay $0x4  }
0x166: {  	[tilespmem:s22+$0x5500] =	vst v21  }
0x167: {  	v21 =	vld [tilespmem:s21+$0x90];
	_ =	sdelay $0x4  }
0x168: {  	[tilespmem:s22+$0x5510] =	vst v21  }
0x169: {  	v21 =	vld [tilespmem:s21+$0xA0];
	_ =	sdelay $0x4  }
0x16a: {  	[tilespmem:s22+$0x5520] =	vst v21  }
0x16b: {  	v21 =	vld [tilespmem:s21+$0xB0];
	_ =	sdelay $0x4  }
0x16c: {  	[tilespmem:s22+$0x5530] =	vst v21  }
0x16d: {  	v21 =	vld [tilespmem:s21+$0xC0];
	_ =	sdelay $0x4  }
0x16e: {  	[tilespmem:s22+$0x5540] =	vst v21  }
0x16f: {  	v21 =	vld [tilespmem:s21+$0xD0];
	_ =	sdelay $0x4  }
0x170: {  	[tilespmem:s22+$0x5550] =	vst v21  }
0x171: {  	v21 =	vld [tilespmem:s21+$0xE0];
	_ =	sdelay $0x4  }
0x172: {  	[tilespmem:s22+$0x5560] =	vst v21  }
0x173: {  	v21 =	vld [tilespmem:s31+$0x2900];
	_ =	sdelay $0x4  }
0x174: {  	s21 =	simm.s32 $0x2A30;
	[tilespmem:s22+$0x5570] =	vst v21  }
0x175: {  	s24 =	simm.s32 $0x440;
	s23 =	simm.s32 $0x0;
	s22 =	simm.s32 $0x220;
	v21 =	vld [tilespmem:s21+$0xFFFFFF00]  }
.LBB2_12:
0x176: {  	p0 =	sne.s32 s24, $0x1FE0  }
0x177: {  	s20 =	sadd.s32 $0x80, s20;
	s23 =	sadd.s32 $0x200, s23  }
0x178: {  	s25 =	sand.u32 $0x1000, s23;
	s26 =	sand.u32 $0x380, s20  }
0x179: {  	s25 =	sor.u32 s26, s25  }
0x17a: {  	[tilespmem:s25+$0x4900] =	vst v21  }
0x17b: {  	v21 =	vld [tilespmem:s21+$0xFFFFFF10];
	_ =	sdelay $0x4  }
0x17c: {  	[tilespmem:s25+$0x4910] =	vst v21  }
0x17d: {  	v21 =	vld [tilespmem:s21+$0xFFFFFF20];
	_ =	sdelay $0x4  }
0x17e: {  	[tilespmem:s25+$0x4920] =	vst v21  }
0x17f: {  	v21 =	vld [tilespmem:s21+$0xFFFFFF30];
	_ =	sdelay $0x4  }
0x180: {  	[tilespmem:s25+$0x4930] =	vst v21  }
0x181: {  	v21 =	vld [tilespmem:s21+$0xFFFFFF40];
	_ =	sdelay $0x4  }
0x182: {  	[tilespmem:s25+$0x4940] =	vst v21  }
0x183: {  	v21 =	vld [tilespmem:s21+$0xFFFFFF50];
	_ =	sdelay $0x4  }
0x184: {  	[tilespmem:s25+$0x4950] =	vst v21  }
0x185: {  	v21 =	vld [tilespmem:s21+$0xFFFFFF60];
	_ =	sdelay $0x4  }
0x186: {  	s26 =	sand.u32 $0x1FE0, s22;
	s22 =	smov.u32 s24;
	[tilespmem:s25+$0x4960] =	vst v21  }
0x187: {  	v21 =	vld [tilespmem:s26+$0x2780];
	_ =	sdelay $0x4  }
0x188: {  	[tilespmem:s25+$0x4970] =	vst v21  }
0x189: {  	v21 =	vld [tilespmem:s21+$0xFFFFFF80];
	_ =	sdelay $0x4  }
0x18a: {  	[tilespmem:s25+$0x4D00] =	vst v21  }
0x18b: {  	v21 =	vld [tilespmem:s21+$0xFFFFFF90];
	_ =	sdelay $0x4  }
0x18c: {  	[tilespmem:s25+$0x4D10] =	vst v21  }
0x18d: {  	v21 =	vld [tilespmem:s21+$0xFFFFFFA0];
	_ =	sdelay $0x4  }
0x18e: {  	[tilespmem:s25+$0x4D20] =	vst v21  }
0x18f: {  	v21 =	vld [tilespmem:s21+$0xFFFFFFB0];
	_ =	sdelay $0x4  }
0x190: {  	[tilespmem:s25+$0x4D30] =	vst v21  }
0x191: {  	v21 =	vld [tilespmem:s21+$0xFFFFFFC0];
	_ =	sdelay $0x4  }
0x192: {  	[tilespmem:s25+$0x4D40] =	vst v21  }
0x193: {  	v21 =	vld [tilespmem:s21+$0xFFFFFFD0];
	_ =	sdelay $0x4  }
0x194: {  	[tilespmem:s25+$0x4D50] =	vst v21  }
0x195: {  	v21 =	vld [tilespmem:s21+$0xFFFFFFE0];
	_ =	sdelay $0x4  }
0x196: {  	[tilespmem:s25+$0x4D60] =	vst v21  }
0x197: {  	v21 =	vld [tilespmem:s26+$0x2800];
	_ =	sdelay $0x4  }
0x198: {  	[tilespmem:s25+$0x4D70] =	vst v21  }
0x199: {  	v21 =	vld [tilespmem:s21+$0x0];
	_ =	sdelay $0x4  }
0x19a: {  	[tilespmem:s25+$0x5100] =	vst v21  }
0x19b: {  	v21 =	vld [tilespmem:s21+$0x10];
	_ =	sdelay $0x4  }
0x19c: {  	[tilespmem:s25+$0x5110] =	vst v21  }
0x19d: {  	v21 =	vld [tilespmem:s21+$0x20];
	_ =	sdelay $0x4  }
0x19e: {  	[tilespmem:s25+$0x5120] =	vst v21  }
0x19f: {  	v21 =	vld [tilespmem:s21+$0x30];
	_ =	sdelay $0x4  }
0x1a0: {  	[tilespmem:s25+$0x5130] =	vst v21  }
0x1a1: {  	v21 =	vld [tilespmem:s21+$0x40];
	_ =	sdelay $0x4  }
0x1a2: {  	[tilespmem:s25+$0x5140] =	vst v21  }
0x1a3: {  	v21 =	vld [tilespmem:s21+$0x50];
	_ =	sdelay $0x4  }
0x1a4: {  	[tilespmem:s25+$0x5150] =	vst v21  }
0x1a5: {  	v21 =	vld [tilespmem:s21+$0x60];
	_ =	sdelay $0x4  }
0x1a6: {  	[tilespmem:s25+$0x5160] =	vst v21  }
0x1a7: {  	v21 =	vld [tilespmem:s26+$0x2880];
	_ =	sdelay $0x4  }
0x1a8: {  	[tilespmem:s25+$0x5170] =	vst v21  }
0x1a9: {  	v21 =	vld [tilespmem:s21+$0x80];
	_ =	sdelay $0x4  }
0x1aa: {  	[tilespmem:s25+$0x5500] =	vst v21  }
0x1ab: {  	v21 =	vld [tilespmem:s21+$0x90];
	_ =	sdelay $0x4  }
0x1ac: {  	[tilespmem:s25+$0x5510] =	vst v21  }
0x1ad: {  	v21 =	vld [tilespmem:s21+$0xA0];
	_ =	sdelay $0x4  }
0x1ae: {  	[tilespmem:s25+$0x5520] =	vst v21  }
0x1af: {  	v21 =	vld [tilespmem:s21+$0xB0];
	_ =	sdelay $0x4  }
0x1b0: {  	[tilespmem:s25+$0x5530] =	vst v21  }
0x1b1: {  	v21 =	vld [tilespmem:s21+$0xC0];
	_ =	sdelay $0x4  }
0x1b2: {  	[tilespmem:s25+$0x5540] =	vst v21  }
0x1b3: {  	v21 =	vld [tilespmem:s21+$0xD0];
	_ =	sdelay $0x4  }
0x1b4: {  	[tilespmem:s25+$0x5550] =	vst v21  }
0x1b5: {  	v21 =	vld [tilespmem:s21+$0xE0];
	_ =	sdelay $0x4  }
0x1b6: {  	[tilespmem:s25+$0x5560] =	vst v21  }
0x1b7: {  	v21 =	vld [tilespmem:s26+$0x2900];
	_ =	sdelay $0x1  }
.Ltmp6:
0x1b8: {  	(pc) =	sbr.rel @p0 .LBB2_12-.Ltmp6, $3  }
0x1b9: {  	_ =	sdelay $0x1  }
0x1ba: {  	s21 =	sadd.s32 $0x220, s21;
	[tilespmem:s25+$0x5570] =	vst v21  }
0x1bb: {  	s24 =	sadd.s32 $0x220, s24;
	v21 =	vld [tilespmem:s21+$0xFFFFFF00]  }
0x1bc: {  	_ = 	snop  }
0x1bd: {  	s20 =	sadd.s32 $0x80, s20;
	s23 =	sadd.s32 $0x200, s23  }
0x1be: {  	s23 =	sand.u32 $0x1000, s23;
	s20 =	sand.u32 $0x380, s20  }
0x1bf: {  	s20 =	sor.u32 s20, s23  }
0x1c0: {  	[tilespmem:s20+$0x4900] =	vst v21  }
0x1c1: {  	v21 =	vld [tilespmem:s21+$0xFFFFFF10];
	_ =	sdelay $0x4  }
0x1c2: {  	[tilespmem:s20+$0x4910] =	vst v21  }
0x1c3: {  	v21 =	vld [tilespmem:s21+$0xFFFFFF20];
	_ =	sdelay $0x4  }
0x1c4: {  	[tilespmem:s20+$0x4920] =	vst v21  }
0x1c5: {  	v21 =	vld [tilespmem:s21+$0xFFFFFF30];
	_ =	sdelay $0x4  }
0x1c6: {  	[tilespmem:s20+$0x4930] =	vst v21  }
0x1c7: {  	v21 =	vld [tilespmem:s21+$0xFFFFFF40];
	_ =	sdelay $0x4  }
0x1c8: {  	[tilespmem:s20+$0x4940] =	vst v21  }
0x1c9: {  	v21 =	vld [tilespmem:s21+$0xFFFFFF50];
	_ =	sdelay $0x4  }
0x1ca: {  	[tilespmem:s20+$0x4950] =	vst v21  }
0x1cb: {  	v21 =	vld [tilespmem:s21+$0xFFFFFF60];
	_ =	sdelay $0x4  }
0x1cc: {  	s22 =	sand.u32 $0x1FE0, s22;
	[tilespmem:s20+$0x4960] =	vst v21  }
0x1cd: {  	v21 =	vld [tilespmem:s22+$0x2780];
	_ =	sdelay $0x4  }
0x1ce: {  	[tilespmem:s20+$0x4970] =	vst v21  }
0x1cf: {  	v21 =	vld [tilespmem:s21+$0xFFFFFF80];
	_ =	sdelay $0x4  }
0x1d0: {  	[tilespmem:s20+$0x4D00] =	vst v21  }
0x1d1: {  	v21 =	vld [tilespmem:s21+$0xFFFFFF90];
	_ =	sdelay $0x4  }
0x1d2: {  	[tilespmem:s20+$0x4D10] =	vst v21  }
0x1d3: {  	v21 =	vld [tilespmem:s21+$0xFFFFFFA0];
	_ =	sdelay $0x4  }
0x1d4: {  	[tilespmem:s20+$0x4D20] =	vst v21  }
0x1d5: {  	v21 =	vld [tilespmem:s21+$0xFFFFFFB0];
	_ =	sdelay $0x4  }
0x1d6: {  	[tilespmem:s20+$0x4D30] =	vst v21  }
0x1d7: {  	v21 =	vld [tilespmem:s21+$0xFFFFFFC0];
	_ =	sdelay $0x4  }
0x1d8: {  	[tilespmem:s20+$0x4D40] =	vst v21  }
0x1d9: {  	v21 =	vld [tilespmem:s21+$0xFFFFFFD0];
	_ =	sdelay $0x4  }
0x1da: {  	[tilespmem:s20+$0x4D50] =	vst v21  }
0x1db: {  	v21 =	vld [tilespmem:s21+$0xFFFFFFE0];
	_ =	sdelay $0x4  }
0x1dc: {  	[tilespmem:s20+$0x4D60] =	vst v21  }
0x1dd: {  	v21 =	vld [tilespmem:s22+$0x2800];
	_ =	sdelay $0x4  }
0x1de: {  	[tilespmem:s20+$0x4D70] =	vst v21  }
0x1df: {  	v21 =	vld [tilespmem:s21+$0x0];
	_ =	sdelay $0x4  }
0x1e0: {  	[tilespmem:s20+$0x5100] =	vst v21  }
0x1e1: {  	v21 =	vld [tilespmem:s21+$0x10];
	_ =	sdelay $0x4  }
0x1e2: {  	[tilespmem:s20+$0x5110] =	vst v21  }
0x1e3: {  	v21 =	vld [tilespmem:s21+$0x20];
	_ =	sdelay $0x4  }
0x1e4: {  	[tilespmem:s20+$0x5120] =	vst v21  }
0x1e5: {  	v21 =	vld [tilespmem:s21+$0x30];
	_ =	sdelay $0x4  }
0x1e6: {  	[tilespmem:s20+$0x5130] =	vst v21  }
0x1e7: {  	v21 =	vld [tilespmem:s21+$0x40];
	_ =	sdelay $0x4  }
0x1e8: {  	[tilespmem:s20+$0x5140] =	vst v21  }
0x1e9: {  	v21 =	vld [tilespmem:s21+$0x50];
	_ =	sdelay $0x4  }
0x1ea: {  	[tilespmem:s20+$0x5150] =	vst v21  }
0x1eb: {  	v21 =	vld [tilespmem:s21+$0x60];
	_ =	sdelay $0x4  }
0x1ec: {  	[tilespmem:s20+$0x5160] =	vst v21  }
0x1ed: {  	v21 =	vld [tilespmem:s22+$0x2880];
	_ =	sdelay $0x4  }
0x1ee: {  	[tilespmem:s20+$0x5170] =	vst v21  }
0x1ef: {  	v21 =	vld [tilespmem:s21+$0x80];
	_ =	sdelay $0x4  }
0x1f0: {  	[tilespmem:s20+$0x5500] =	vst v21  }
0x1f1: {  	v21 =	vld [tilespmem:s21+$0x90];
	_ =	sdelay $0x4  }
0x1f2: {  	[tilespmem:s20+$0x5510] =	vst v21  }
0x1f3: {  	v21 =	vld [tilespmem:s21+$0xA0];
	_ =	sdelay $0x4  }
0x1f4: {  	[tilespmem:s20+$0x5520] =	vst v21  }
0x1f5: {  	v21 =	vld [tilespmem:s21+$0xB0];
	_ =	sdelay $0x4  }
0x1f6: {  	[tilespmem:s20+$0x5530] =	vst v21  }
0x1f7: {  	v21 =	vld [tilespmem:s21+$0xC0];
	_ =	sdelay $0x4  }
0x1f8: {  	[tilespmem:s20+$0x5540] =	vst v21  }
0x1f9: {  	v21 =	vld [tilespmem:s21+$0xD0];
	_ =	sdelay $0x4  }
0x1fa: {  	[tilespmem:s20+$0x5550] =	vst v21  }
0x1fb: {  	v21 =	vld [tilespmem:s21+$0xE0];
	_ =	sdelay $0x4  }
0x1fc: {  	[tilespmem:s20+$0x5560] =	vst v21  }
0x1fd: {  	v21 =	vld [tilespmem:s22+$0x2900];
	_ =	sdelay $0x2  }
0x1fe: {  	s19 =	sadd.s32 $0x1, s19  }
0x1ff: {  	p0 =	sne.s32 s19, s9  }
.Ltmp7:
0x200: {  	[tilespmem:s20+$0x5570] =	vst v21;
	(pc) =	sbr.rel @p0 .LBB2_1-.Ltmp7, $4  }
0x201: {  	[hbm4b:s8+s1] =	stream.linear.scatter [tilespmem:s18], [sflag:$0x1], $0x2000, $0x38;
	[tilespmem:$0x6900] =	vst v63  }
0x202: {  	_ =	swait.ge [sflag:s10], $0x2000  }
0x203: {  	[sflag:s10] =	ssyncset.done $0x0  }
0x204: {  	[sflag:s10] =	ssyncadd.s32 $0xFFFFE000  }
0x205: {  	_ =	sfence.sel $0x180000  }
0x206: {  	[bflag:$0x0] =	sbarrier.arrive $0xFFFF  }
0x207: {  	p0 =	sne.s32 s2, $0x0;
	_ =	strace $0x90000047  }
0x208: {  	s0 =	sadd.s32 @!p0 $0x100000, s0;
	[bflag:$0x2] =	sbarrier.arrive $0xFFFF  }
0x209: {  	[sflag:s0] =	ssyncadd.tile.s32 @!p0 $0x1;
	_ =	shalt  }
.Lfunc_end2:
_tile_overlayer_lowered:
.L_overlay_start_2:
0x20a: {  	(tag) =	ssettag $0x2  }
0x20b: {  	s0 =	rddreg [dreg:$0x0];
	s2 =	stileid.u32  }
0x20c: {  	s1 =	rddreg [dreg:$0x1];
	p0 =	sne.s32 s2, $0x0  }
0x20d: {  	s3 =	rddreg [dreg:$0x2];
	[bflag:$0x3] =	sbarrier.arrive $0xFFFF;
	s2 =	simm.s32 @!p0 $0x1C01  }
0x20e: {  	[timem:s3], [sflag:s2] =	dma.local @!p0 [hbm:s0], s1  }
0x20f: {  	s0 =	simm.s32 @!p0 $0x1  }
0x210: {  	_ =	swait.ge @!p0 [sflag:s0], s1  }
0x211: {  	s1 =	ssub.s32 @!p0 $0x0, s1;
	[sflag:s0] =	ssyncset.done @!p0 $0x0  }
0x212: {  	[sflag:s0] =	ssyncadd.s32 @!p0 s1  }
0x213: {  	[bflag:$0x3] =	sbarrier.arrive $0xFFFF  }
0x214: {  	_ =	shalt  }

</sc_bundles>
